<compile_context>
chip_gen: v7x
topology: tpu7x:2x2x1
jax: 0.10.2.dev20260603
libtpu: 0.0.44.dev20260713+nightly
codegen_flags: <defaults>
</compile_context>

<pallas_src>
import functools

import jax
import jax.numpy as jnp
from jax import lax
from jax.experimental import pallas as pl
from jax.experimental.pallas import tpu as pltpu
from jax.experimental.pallas import tpu_sc as plsc

NUM_DRUGS = 1000000
UNKNOWN_PADDING = 100
TOTAL_VOCAB = NUM_DRUGS + UNKNOWN_PADDING
FEATURE_DIM = 64
FEATURE_PROJ_DIM = 256
IDENTITY_DIM = 256
FUSED_DIM = 512
BATCH = 16384

_NC = 2
_NS = 16
_NW = _NC * _NS
_MAXCHUNK = 128

_BM = 2048
_SLICES = (4096, 6144, 6144)
assert sum(_SLICES) == BATCH and all(s % (_NW * 16) == 0 for s in _SLICES)
assert all(s % _BM == 0 for s in _SLICES)


def _chunk_plan(bpw):
  chunks = []
  off = 0
  while off < bpw:
    n = min(_MAXCHUNK, bpw - off)
    chunks.append((off, n))
    off += n
  return chunks


def _gather_body(row0, nrows, idx_hbm, emb_hbm, *refs):
  if len(refs) == 7:
    out_hbm, _outbuf, idx_v, rows_a, rows_b, sem_a, sem_b = refs
  else:
    out_hbm, idx_v, rows_a, rows_b, sem_a, sem_b = refs
  bpw = nrows // _NW
  wid = lax.axis_index("s") * _NC + lax.axis_index("c")
  base = wid * bpw
  pltpu.sync_copy(idx_hbm.at[pl.ds(row0 + base, bpw)], idx_v)
  for j in range(bpw // 16):
    sl = pl.ds(j * 16, 16)
    idx_v[sl] = jnp.clip(idx_v[sl], 0, TOTAL_VOCAB - 1)
  rows = (rows_a, rows_b)
  sems = (sem_a, sem_b)
  plan = _chunk_plan(bpw)
  copies = []
  for c, (off, n) in enumerate(plan):
    copies.append(
        pltpu.async_copy(emb_hbm.at[idx_v.at[pl.ds(off, n)]],
                         rows[c % 2].at[pl.ds(0, n)], sems[c % 2]))
    if c >= 1:
      poff, pn = plan[c - 1]
      copies[c - 1].wait()
      pltpu.sync_copy(rows[(c - 1) % 2].at[pl.ds(0, pn)],
                      out_hbm.at[pl.ds(base + poff, pn)])
  c = len(plan) - 1
  off, n = plan[c]
  copies[c].wait()
  pltpu.sync_copy(rows[c % 2].at[pl.ds(0, n)],
                  out_hbm.at[pl.ds(base + off, n)])


@functools.lru_cache(maxsize=None)
def _build_gather(row0, nrows, with_out_buf=False):
  out_type = jax.ShapeDtypeStruct((nrows, IDENTITY_DIM), jnp.float32)
  if with_out_buf:
    out_type = (out_type,
                jax.ShapeDtypeStruct((BATCH, FUSED_DIM), jnp.float32))
  bpw = nrows // _NW
  return pl.kernel(
      functools.partial(_gather_body, row0, nrows),
      out_type=out_type,
      mesh=plsc.VectorSubcoreMesh(
          core_axis_name="c", subcore_axis_name="s",
          num_cores=_NC, num_subcores=_NS),
      scratch_types=[
          pltpu.VMEM((bpw,), jnp.int32),
          pltpu.VMEM((_MAXCHUNK, IDENTITY_DIM), jnp.float32),
          pltpu.VMEM((_MAXCHUNK, IDENTITY_DIM), jnp.float32),
          pltpu.SemaphoreType.DMA,
          pltpu.SemaphoreType.DMA,
      ],
  )


def _mlp_body(ident_ref, feat_ref, wf_ref, bf_ref, w1_ref, b1_ref,
              gamma_ref, beta_ref, w2_ref, b2_ref, out_ref):
  fp = jnp.dot(feat_ref[...], wf_ref[...],
               preferred_element_type=jnp.float32) + bf_ref[...][None, :]
  h = (jnp.dot(ident_ref[...], w1_ref[:IDENTITY_DIM, :],
               preferred_element_type=jnp.float32)
       + jnp.dot(fp, w1_ref[IDENTITY_DIM:, :],
                 preferred_element_type=jnp.float32)
       + b1_ref[...][None, :])
  mean = jnp.mean(h, axis=-1, keepdims=True)
  var = jnp.mean(jnp.square(h - mean), axis=-1, keepdims=True)
  h = (h - mean) * lax.rsqrt(var + 1e-5)
  h = h * gamma_ref[...][None, :] + beta_ref[...][None, :]
  h = 0.5 * h * (1.0 + lax.erf(h * (2.0 ** -0.5)))
  out_ref[...] = jnp.dot(h, w2_ref[...],
                         preferred_element_type=jnp.float32) + b2_ref[...][None, :]


def _mlp_alias_body(prev_ref, *rest):
  del prev_ref
  _mlp_body(*rest)


def _full(shape):
  return pl.BlockSpec(shape, lambda i: (0,) * len(shape))


@functools.lru_cache(maxsize=None)
def _build_mlp(block0, nrows):
  grid = nrows // _BM
  ident_spec = pl.BlockSpec((_BM, IDENTITY_DIM), lambda i: (i, 0))
  feat_spec = pl.BlockSpec((_BM, FEATURE_DIM), lambda i: (block0 + i, 0))
  out_spec = pl.BlockSpec((_BM, FUSED_DIM), lambda i: (block0 + i, 0))
  tail_specs = [
      _full((FEATURE_DIM, FEATURE_PROJ_DIM)),
      _full((FEATURE_PROJ_DIM,)),
      _full((IDENTITY_DIM + FEATURE_PROJ_DIM, FUSED_DIM)),
      _full((FUSED_DIM,)),
      _full((FUSED_DIM,)),
      _full((FUSED_DIM,)),
      _full((FUSED_DIM, FUSED_DIM)),
      _full((FUSED_DIM,)),
  ]
  return pl.pallas_call(
      _mlp_alias_body,
      grid=(grid,),
      in_specs=([pl.BlockSpec(memory_space=pl.ANY), ident_spec, feat_spec]
                + tail_specs),
      out_specs=out_spec,
      out_shape=jax.ShapeDtypeStruct((BATCH, FUSED_DIM), jnp.float32),
      input_output_aliases={0: 0},
      compiler_params=pltpu.CompilerParams(
          dimension_semantics=("arbitrary",)),
  )


@jax.jit
def kernel(drug_id, features, emb, W_feat, b_feat, W1, b1, gamma, beta, W2, b2):
  row0s = [sum(_SLICES[:s]) for s in range(len(_SLICES))]
  ident0, out = _build_gather(row0s[0], _SLICES[0], True)(drug_id, emb)
  idents = [ident0] + [
      _build_gather(row0s[s], _SLICES[s])(drug_id, emb)
      for s in range(1, len(_SLICES))
  ]
  ws = (W_feat, b_feat, W1, b1, gamma, beta, W2, b2)
  for s in range(len(_SLICES)):
    out = _build_mlp(row0s[s] // _BM, _SLICES[s])(out, idents[s], features, *ws)
  return out

# --- scband reference (transcript-rebuilt; emitter-appended) ---
"""Pipeline reference for scband-drug-encoder-49357764165974 (READ-ONLY COPY).

The authoritative reference and input builder live on the scoring server;
editing this copy changes nothing except your own understanding.
"""

import jax, jax.numpy as jnp
import numpy as np

NUM_DRUGS = 1000000
UNKNOWN_PADDING = 100
TOTAL_VOCAB = NUM_DRUGS + UNKNOWN_PADDING
FEATURE_DIM = 64
FEATURE_PROJ_DIM = 256
IDENTITY_DIM = 256
FUSED_DIM = 512
BATCH = 16384


def setup_inputs(seed: int = 0) -> dict:
    key = jax.random.key(seed)
    ks = jax.random.split(key, 12)
    drug_id = jax.random.randint(ks[0], (BATCH,), 0, TOTAL_VOCAB, dtype=jnp.int32)
    features = jax.random.normal(ks[1], (BATCH, FEATURE_DIM), dtype=jnp.float32)
    emb = jax.random.normal(ks[2], (TOTAL_VOCAB, IDENTITY_DIM), dtype=jnp.float32) * 0.02
    W_feat = jax.random.normal(ks[3], (FEATURE_DIM, FEATURE_PROJ_DIM), dtype=jnp.float32) * (1.0 / np.sqrt(FEATURE_DIM))
    b_feat = jnp.zeros((FEATURE_PROJ_DIM,), dtype=jnp.float32)
    W1 = jax.random.normal(ks[4], (IDENTITY_DIM + FEATURE_PROJ_DIM, FUSED_DIM), dtype=jnp.float32) * (1.0 / np.sqrt(IDENTITY_DIM + FEATURE_PROJ_DIM))
    b1 = jnp.zeros((FUSED_DIM,), dtype=jnp.float32)
    gamma = jnp.ones((FUSED_DIM,), dtype=jnp.float32)
    beta = jnp.zeros((FUSED_DIM,), dtype=jnp.float32)
    W2 = jax.random.normal(ks[5], (FUSED_DIM, FUSED_DIM), dtype=jnp.float32) * (1.0 / np.sqrt(FUSED_DIM))
    b2 = jnp.zeros((FUSED_DIM,), dtype=jnp.float32)
    return {"drug_id": drug_id, "features": features, "emb": emb, "W_feat": W_feat, "b_feat": b_feat, "W1": W1, "b1": b1, "gamma": gamma, "beta": beta, "W2": W2, "b2": b2}


def reference(drug_id, features, emb, W_feat, b_feat, W1, b1, gamma, beta, W2, b2):
    safe_id = jnp.clip(drug_id, 0, TOTAL_VOCAB - 1)
    identity = jnp.take(emb, safe_id, axis=0)
    feat_proj = features @ W_feat + b_feat
    combined = jnp.concatenate([identity, feat_proj], axis=-1)
    h = combined @ W1 + b1
    mean = jnp.mean(h, axis=-1, keepdims=True)
    var = jnp.mean((h - mean) ** 2, axis=-1, keepdims=True)
    h = (h - mean) / jnp.sqrt(var + 1e-5)
    h = h * gamma + beta
    h = jax.nn.gelu(h, approximate=False)
    out = h @ W2 + b2
    return out

if __name__ == "__main__":
    import jax
    _d = setup_inputs()
    print(jax.jit(kernel)(*tuple(_d.values())))

</pallas_src>

<mosaic_0001>
#map = affine_map<(d0, d1) -> (0)>
#map1 = affine_map<(d0, d1) -> (0, 0)>
module attributes {stable_mosaic.version = 14 : i64} {
  func.func @_gather_body(%arg0: i32, %arg1: i32, %arg2: memref<16384xi32, #tpu.memory_space<hbm>>, %arg3: memref<1000100x256xf32, #tpu.memory_space<hbm>>, %arg4: memref<6144x256xf32, #tpu.memory_space<hbm>>, %arg5: memref<192xi32, #tpu.memory_space<vmem>>, %arg6: memref<128x256xf32, #tpu.memory_space<vmem>>, %arg7: memref<128x256xf32, #tpu.memory_space<vmem>>, %arg8: memref<!tpu.dma_semaphore, #tpu.memory_space<semaphore_mem>>, %arg9: memref<!tpu.dma_semaphore, #tpu.memory_space<semaphore_mem>>) attributes {dimension_semantics = [#tpu.dimension_semantics<core_parallel>, #tpu.dimension_semantics<subcore_parallel>], iteration_bounds = array<i64: 2, 16>, scalar_prefetch = 0 : i64, scratch_operands = 5 : i64, tpu.core_type = #tpu.core_type<sc_vector_subcore>, window_params = [{transform_indices = #map}, {transform_indices = #map1}, {transform_indices = #map1}]} {
    %mul3A = arith.constant 2 : i32
    %mul3A_0 = arith.muli %arg1, %mul3A : i32
    %add3A = arith.addi %mul3A_0, %arg0 : i32
    %mul3A_1 = arith.constant 192 : i32
    %mul3A_2 = arith.muli %add3A, %mul3A_1 : i32
    %add3A_3 = arith.constant 4096 : i32
    %add3A_4 = arith.addi %add3A_3, %mul3A_2 : i32
    "tpu.region"() ({
      %run_scoped3A = tpu.sem_alloc : memref<!tpu.dma_semaphore, #tpu.memory_space<semaphore_mem>>
      %dma_start3A_190 = tpu.memref_slice %arg2[%add3A_4] : memref<16384xi32, #tpu.memory_space<hbm>> -> memref<192xi32, #tpu.memory_space<hbm>>
      %dma_start3A_191 = tpu.memref_slice %arg2[%add3A_4] : memref<16384xi32, #tpu.memory_space<hbm>> -> memref<192xi32, #tpu.memory_space<hbm>>
      tpu.enqueue_dma source(%dma_start3A_191 : memref<192xi32, #tpu.memory_space<hbm>>) target(%arg5 : memref<192xi32, #tpu.memory_space<vmem>>) target_semaphore(%run_scoped3A : memref<!tpu.dma_semaphore, #tpu.memory_space<semaphore_mem>>)
      %dma_wait3A_192 = tpu.memref_slice %arg2[%add3A_4] : memref<16384xi32, #tpu.memory_space<hbm>> -> memref<192xi32, #tpu.memory_space<hbm>>
      %dma_wait3A_193 = tpu.memref_slice %arg2[%add3A_4] : memref<16384xi32, #tpu.memory_space<hbm>> -> memref<192xi32, #tpu.memory_space<hbm>>
      tpu.wait_dma2 semaphore(%run_scoped3A : memref<!tpu.dma_semaphore, #tpu.memory_space<semaphore_mem>>) src(%dma_wait3A_193 : memref<192xi32, #tpu.memory_space<hbm>>) dst(%arg5 : memref<192xi32, #tpu.memory_space<vmem>>)
      tpu.yield
    }) : () -> ()
    %get3A = arith.constant 0 : index
    %get3A_5 = tpu.vector_load %arg5[%get3A] {strides = array<i32>} : memref<192xi32, #tpu.memory_space<vmem>>, vector<16xi32>,
    %get3A_6 = vector.shape_cast %get3A_5 : vector<16xi32> to vector<16xi32>
    %jit3A = arith.constant 0 : i32
    %jit3A_7 = arith.constant 1000099 : i32
    %max3A = vector.broadcast %jit3A : i32 to vector<16xi32>
    %max3A_8 = arith.maxsi %max3A, %get3A_6 : vector<16xi32>
    %min3A = vector.broadcast %jit3A_7 : i32 to vector<16xi32>
    %min3A_9 = arith.minsi %min3A, %max3A_8 : vector<16xi32>
    %swap3A = arith.constant 0 : index
    %swap3A_10 = tpu.vector_load %arg5[%swap3A] {strides = array<i32>} : memref<192xi32, #tpu.memory_space<vmem>>, vector<16xi32>,
    %swap3A_11 = vector.shape_cast %swap3A_10 : vector<16xi32> to vector<16xi32>
    %swap3A_12 = vector.shape_cast %min3A_9 : vector<16xi32> to vector<16xi32>
    tpu.vector_store %arg5[%swap3A], %swap3A_12 {strides = array<i32>} : memref<192xi32, #tpu.memory_space<vmem>>, vector<16xi32>,
    %get3A_13 = arith.constant 16 : index
    %get3A_14 = tpu.vector_load %arg5[%get3A_13] {strides = array<i32>} : memref<192xi32, #tpu.memory_space<vmem>>, vector<16xi32>,
    %get3A_15 = vector.shape_cast %get3A_14 : vector<16xi32> to vector<16xi32>
    %jit3A_16 = arith.constant 0 : i32
    %jit3A_17 = arith.constant 1000099 : i32
    %max3A_18 = vector.broadcast %jit3A_16 : i32 to vector<16xi32>
    %max3A_19 = arith.maxsi %max3A_18, %get3A_15 : vector<16xi32>
    %min3A_20 = vector.broadcast %jit3A_17 : i32 to vector<16xi32>
    %min3A_21 = arith.minsi %min3A_20, %max3A_19 : vector<16xi32>
    %swap3A_22 = arith.constant 16 : index
    %swap3A_23 = tpu.vector_load %arg5[%swap3A_22] {strides = array<i32>} : memref<192xi32, #tpu.memory_space<vmem>>, vector<16xi32>,
    %swap3A_24 = vector.shape_cast %swap3A_23 : vector<16xi32> to vector<16xi32>
    %swap3A_25 = vector.shape_cast %min3A_21 : vector<16xi32> to vector<16xi32>
    tpu.vector_store %arg5[%swap3A_22], %swap3A_25 {strides = array<i32>} : memref<192xi32, #tpu.memory_space<vmem>>, vector<16xi32>,
    %get3A_26 = arith.constant 32 : index
    %get3A_27 = tpu.vector_load %arg5[%get3A_26] {strides = array<i32>} : memref<192xi32, #tpu.memory_space<vmem>>, vector<16xi32>,
    %get3A_28 = vector.shape_cast %get3A_27 : vector<16xi32> to vector<16xi32>
    %jit3A_29 = arith.constant 0 : i32
    %jit3A_30 = arith.constant 1000099 : i32
    %max3A_31 = vector.broadcast %jit3A_29 : i32 to vector<16xi32>
    %max3A_32 = arith.maxsi %max3A_31, %get3A_28 : vector<16xi32>
    %min3A_33 = vector.broadcast %jit3A_30 : i32 to vector<16xi32>
    %min3A_34 = arith.minsi %min3A_33, %max3A_32 : vector<16xi32>
    %swap3A_35 = arith.constant 32 : index
    %swap3A_36 = tpu.vector_load %arg5[%swap3A_35] {strides = array<i32>} : memref<192xi32, #tpu.memory_space<vmem>>, vector<16xi32>,
    %swap3A_37 = vector.shape_cast %swap3A_36 : vector<16xi32> to vector<16xi32>
    %swap3A_38 = vector.shape_cast %min3A_34 : vector<16xi32> to vector<16xi32>
    tpu.vector_store %arg5[%swap3A_35], %swap3A_38 {strides = array<i32>} : memref<192xi32, #tpu.memory_space<vmem>>, vector<16xi32>,
    %get3A_39 = arith.constant 48 : index
    %get3A_40 = tpu.vector_load %arg5[%get3A_39] {strides = array<i32>} : memref<192xi32, #tpu.memory_space<vmem>>, vector<16xi32>,
    %get3A_41 = vector.shape_cast %get3A_40 : vector<16xi32> to vector<16xi32>
    %jit3A_42 = arith.constant 0 : i32
    %jit3A_43 = arith.constant 1000099 : i32
    %max3A_44 = vector.broadcast %jit3A_42 : i32 to vector<16xi32>
    %max3A_45 = arith.maxsi %max3A_44, %get3A_41 : vector<16xi32>
    %min3A_46 = vector.broadcast %jit3A_43 : i32 to vector<16xi32>
    %min3A_47 = arith.minsi %min3A_46, %max3A_45 : vector<16xi32>
    %swap3A_48 = arith.constant 48 : index
    %swap3A_49 = tpu.vector_load %arg5[%swap3A_48] {strides = array<i32>} : memref<192xi32, #tpu.memory_space<vmem>>, vector<16xi32>,
    %swap3A_50 = vector.shape_cast %swap3A_49 : vector<16xi32> to vector<16xi32>
    %swap3A_51 = vector.shape_cast %min3A_47 : vector<16xi32> to vector<16xi32>
    tpu.vector_store %arg5[%swap3A_48], %swap3A_51 {strides = array<i32>} : memref<192xi32, #tpu.memory_space<vmem>>, vector<16xi32>,
    %get3A_52 = arith.constant 64 : index
    %get3A_53 = tpu.vector_load %arg5[%get3A_52] {strides = array<i32>} : memref<192xi32, #tpu.memory_space<vmem>>, vector<16xi32>,
    %get3A_54 = vector.shape_cast %get3A_53 : vector<16xi32> to vector<16xi32>
    %jit3A_55 = arith.constant 0 : i32
    %jit3A_56 = arith.constant 1000099 : i32
    %max3A_57 = vector.broadcast %jit3A_55 : i32 to vector<16xi32>
    %max3A_58 = arith.maxsi %max3A_57, %get3A_54 : vector<16xi32>
    %min3A_59 = vector.broadcast %jit3A_56 : i32 to vector<16xi32>
    %min3A_60 = arith.minsi %min3A_59, %max3A_58 : vector<16xi32>
    %swap3A_61 = arith.constant 64 : index
    %swap3A_62 = tpu.vector_load %arg5[%swap3A_61] {strides = array<i32>} : memref<192xi32, #tpu.memory_space<vmem>>, vector<16xi32>,
    %swap3A_63 = vector.shape_cast %swap3A_62 : vector<16xi32> to vector<16xi32>
    %swap3A_64 = vector.shape_cast %min3A_60 : vector<16xi32> to vector<16xi32>
    tpu.vector_store %arg5[%swap3A_61], %swap3A_64 {strides = array<i32>} : memref<192xi32, #tpu.memory_space<vmem>>, vector<16xi32>,
    %get3A_65 = arith.constant 80 : index
    %get3A_66 = tpu.vector_load %arg5[%get3A_65] {strides = array<i32>} : memref<192xi32, #tpu.memory_space<vmem>>, vector<16xi32>,
    %get3A_67 = vector.shape_cast %get3A_66 : vector<16xi32> to vector<16xi32>
    %jit3A_68 = arith.constant 0 : i32
    %jit3A_69 = arith.constant 1000099 : i32
    %max3A_70 = vector.broadcast %jit3A_68 : i32 to vector<16xi32>
    %max3A_71 = arith.maxsi %max3A_70, %get3A_67 : vector<16xi32>
    %min3A_72 = vector.broadcast %jit3A_69 : i32 to vector<16xi32>
    %min3A_73 = arith.minsi %min3A_72, %max3A_71 : vector<16xi32>
    %swap3A_74 = arith.constant 80 : index
    %swap3A_75 = tpu.vector_load %arg5[%swap3A_74] {strides = array<i32>} : memref<192xi32, #tpu.memory_space<vmem>>, vector<16xi32>,
    %swap3A_76 = vector.shape_cast %swap3A_75 : vector<16xi32> to vector<16xi32>
    %swap3A_77 = vector.shape_cast %min3A_73 : vector<16xi32> to vector<16xi32>
    tpu.vector_store %arg5[%swap3A_74], %swap3A_77 {strides = array<i32>} : memref<192xi32, #tpu.memory_space<vmem>>, vector<16xi32>,
    %get3A_78 = arith.constant 96 : index
    %get3A_79 = tpu.vector_load %arg5[%get3A_78] {strides = array<i32>} : memref<192xi32, #tpu.memory_space<vmem>>, vector<16xi32>,
    %get3A_80 = vector.shape_cast %get3A_79 : vector<16xi32> to vector<16xi32>
    %jit3A_81 = arith.constant 0 : i32
    %jit3A_82 = arith.constant 1000099 : i32
    %max3A_83 = vector.broadcast %jit3A_81 : i32 to vector<16xi32>
    %max3A_84 = arith.maxsi %max3A_83, %get3A_80 : vector<16xi32>
    %min3A_85 = vector.broadcast %jit3A_82 : i32 to vector<16xi32>
    %min3A_86 = arith.minsi %min3A_85, %max3A_84 : vector<16xi32>
    %swap3A_87 = arith.constant 96 : index
    %swap3A_88 = tpu.vector_load %arg5[%swap3A_87] {strides = array<i32>} : memref<192xi32, #tpu.memory_space<vmem>>, vector<16xi32>,
    %swap3A_89 = vector.shape_cast %swap3A_88 : vector<16xi32> to vector<16xi32>
    %swap3A_90 = vector.shape_cast %min3A_86 : vector<16xi32> to vector<16xi32>
    tpu.vector_store %arg5[%swap3A_87], %swap3A_90 {strides = array<i32>} : memref<192xi32, #tpu.memory_space<vmem>>, vector<16xi32>,
    %get3A_91 = arith.constant 112 : index
    %get3A_92 = tpu.vector_load %arg5[%get3A_91] {strides = array<i32>} : memref<192xi32, #tpu.memory_space<vmem>>, vector<16xi32>,
    %get3A_93 = vector.shape_cast %get3A_92 : vector<16xi32> to vector<16xi32>
    %jit3A_94 = arith.constant 0 : i32
    %jit3A_95 = arith.constant 1000099 : i32
    %max3A_96 = vector.broadcast %jit3A_94 : i32 to vector<16xi32>
    %max3A_97 = arith.maxsi %max3A_96, %get3A_93 : vector<16xi32>
    %min3A_98 = vector.broadcast %jit3A_95 : i32 to vector<16xi32>
    %min3A_99 = arith.minsi %min3A_98, %max3A_97 : vector<16xi32>
    %swap3A_100 = arith.constant 112 : index
    %swap3A_101 = tpu.vector_load %arg5[%swap3A_100] {strides = array<i32>} : memref<192xi32, #tpu.memory_space<vmem>>, vector<16xi32>,
    %swap3A_102 = vector.shape_cast %swap3A_101 : vector<16xi32> to vector<16xi32>
    %swap3A_103 = vector.shape_cast %min3A_99 : vector<16xi32> to vector<16xi32>
    tpu.vector_store %arg5[%swap3A_100], %swap3A_103 {strides = array<i32>} : memref<192xi32, #tpu.memory_space<vmem>>, vector<16xi32>,
    %get3A_104 = arith.constant 128 : index
    %get3A_105 = tpu.vector_load %arg5[%get3A_104] {strides = array<i32>} : memref<192xi32, #tpu.memory_space<vmem>>, vector<16xi32>,
    %get3A_106 = vector.shape_cast %get3A_105 : vector<16xi32> to vector<16xi32>
    %jit3A_107 = arith.constant 0 : i32
    %jit3A_108 = arith.constant 1000099 : i32
    %max3A_109 = vector.broadcast %jit3A_107 : i32 to vector<16xi32>
    %max3A_110 = arith.maxsi %max3A_109, %get3A_106 : vector<16xi32>
    %min3A_111 = vector.broadcast %jit3A_108 : i32 to vector<16xi32>
    %min3A_112 = arith.minsi %min3A_111, %max3A_110 : vector<16xi32>
    %swap3A_113 = arith.constant 128 : index
    %swap3A_114 = tpu.vector_load %arg5[%swap3A_113] {strides = array<i32>} : memref<192xi32, #tpu.memory_space<vmem>>, vector<16xi32>,
    %swap3A_115 = vector.shape_cast %swap3A_114 : vector<16xi32> to vector<16xi32>
    %swap3A_116 = vector.shape_cast %min3A_112 : vector<16xi32> to vector<16xi32>
    tpu.vector_store %arg5[%swap3A_113], %swap3A_116 {strides = array<i32>} : memref<192xi32, #tpu.memory_space<vmem>>, vector<16xi32>,
    %get3A_117 = arith.constant 144 : index
    %get3A_118 = tpu.vector_load %arg5[%get3A_117] {strides = array<i32>} : memref<192xi32, #tpu.memory_space<vmem>>, vector<16xi32>,
    %get3A_119 = vector.shape_cast %get3A_118 : vector<16xi32> to vector<16xi32>
    %jit3A_120 = arith.constant 0 : i32
    %jit3A_121 = arith.constant 1000099 : i32
    %max3A_122 = vector.broadcast %jit3A_120 : i32 to vector<16xi32>
    %max3A_123 = arith.maxsi %max3A_122, %get3A_119 : vector<16xi32>
    %min3A_124 = vector.broadcast %jit3A_121 : i32 to vector<16xi32>
    %min3A_125 = arith.minsi %min3A_124, %max3A_123 : vector<16xi32>
    %swap3A_126 = arith.constant 144 : index
    %swap3A_127 = tpu.vector_load %arg5[%swap3A_126] {strides = array<i32>} : memref<192xi32, #tpu.memory_space<vmem>>, vector<16xi32>,
    %swap3A_128 = vector.shape_cast %swap3A_127 : vector<16xi32> to vector<16xi32>
    %swap3A_129 = vector.shape_cast %min3A_125 : vector<16xi32> to vector<16xi32>
    tpu.vector_store %arg5[%swap3A_126], %swap3A_129 {strides = array<i32>} : memref<192xi32, #tpu.memory_space<vmem>>, vector<16xi32>,
    %get3A_130 = arith.constant 160 : index
    %get3A_131 = tpu.vector_load %arg5[%get3A_130] {strides = array<i32>} : memref<192xi32, #tpu.memory_space<vmem>>, vector<16xi32>,
    %get3A_132 = vector.shape_cast %get3A_131 : vector<16xi32> to vector<16xi32>
    %jit3A_133 = arith.constant 0 : i32
    %jit3A_134 = arith.constant 1000099 : i32
    %max3A_135 = vector.broadcast %jit3A_133 : i32 to vector<16xi32>
    %max3A_136 = arith.maxsi %max3A_135, %get3A_132 : vector<16xi32>
    %min3A_137 = vector.broadcast %jit3A_134 : i32 to vector<16xi32>
    %min3A_138 = arith.minsi %min3A_137, %max3A_136 : vector<16xi32>
    %swap3A_139 = arith.constant 160 : index
    %swap3A_140 = tpu.vector_load %arg5[%swap3A_139] {strides = array<i32>} : memref<192xi32, #tpu.memory_space<vmem>>, vector<16xi32>,
    %swap3A_141 = vector.shape_cast %swap3A_140 : vector<16xi32> to vector<16xi32>
    %swap3A_142 = vector.shape_cast %min3A_138 : vector<16xi32> to vector<16xi32>
    tpu.vector_store %arg5[%swap3A_139], %swap3A_142 {strides = array<i32>} : memref<192xi32, #tpu.memory_space<vmem>>, vector<16xi32>,
    %get3A_143 = arith.constant 176 : index
    %get3A_144 = tpu.vector_load %arg5[%get3A_143] {strides = array<i32>} : memref<192xi32, #tpu.memory_space<vmem>>, vector<16xi32>,
    %get3A_145 = vector.shape_cast %get3A_144 : vector<16xi32> to vector<16xi32>
    %jit3A_146 = arith.constant 0 : i32
    %jit3A_147 = arith.constant 1000099 : i32
    %max3A_148 = vector.broadcast %jit3A_146 : i32 to vector<16xi32>
    %max3A_149 = arith.maxsi %max3A_148, %get3A_145 : vector<16xi32>
    %min3A_150 = vector.broadcast %jit3A_147 : i32 to vector<16xi32>
    %min3A_151 = arith.minsi %min3A_150, %max3A_149 : vector<16xi32>
    %swap3A_152 = arith.constant 176 : index
    %swap3A_153 = tpu.vector_load %arg5[%swap3A_152] {strides = array<i32>} : memref<192xi32, #tpu.memory_space<vmem>>, vector<16xi32>,
    %swap3A_154 = vector.shape_cast %swap3A_153 : vector<16xi32> to vector<16xi32>
    %swap3A_155 = vector.shape_cast %min3A_151 : vector<16xi32> to vector<16xi32>
    tpu.vector_store %arg5[%swap3A_152], %swap3A_155 {strides = array<i32>} : memref<192xi32, #tpu.memory_space<vmem>>, vector<16xi32>,
    %dma_start3A = arith.constant 0 : i32
    %dma_start3A_156 = arith.constant 0 : i32
    %dma_start3A_157 = tpu.memref_slice %arg6[%dma_start3A, %dma_start3A_156] : memref<128x256xf32, #tpu.memory_space<vmem>> -> memref<128x256xf32, #tpu.memory_space<vmem>>
    %dma_start3A_158 = arith.constant 0 : i32
    %dma_start3A_159 = tpu.memref_slice %arg5[%dma_start3A_158] : memref<192xi32, #tpu.memory_space<vmem>> -> memref<128xi32, #tpu.memory_space<vmem>>
    %dma_start3A_160 = arith.constant 0 : i32
    %dma_start3A_161 = arith.constant 0 : i32
    %dma_start3A_162 = tpu.memref_slice %arg3[%dma_start3A_160, %dma_start3A_161] : memref<1000100x256xf32, #tpu.memory_space<hbm>> -> memref<1000100x256xf32, #tpu.memory_space<hbm>>
    tpu.enqueue_indirect_dma source(%dma_start3A_162 : memref<1000100x256xf32, #tpu.memory_space<hbm>>) target(%dma_start3A_157 : memref<128x256xf32, #tpu.memory_space<vmem>>) offsets(%dma_start3A_159 : memref<128xi32, #tpu.memory_space<vmem>>) semaphore(%arg8 : memref<!tpu.dma_semaphore, #tpu.memory_space<semaphore_mem>>)
    %dma_start3A_163 = arith.constant 0 : i32
    %dma_start3A_164 = arith.constant 0 : i32
    %dma_start3A_165 = tpu.memref_slice %arg7[%dma_start3A_163, %dma_start3A_164] : memref<128x256xf32, #tpu.memory_space<vmem>> -> memref<64x256xf32, #tpu.memory_space<vmem>>
    %dma_start3A_166 = arith.constant 128 : i32
    %dma_start3A_167 = tpu.memref_slice %arg5[%dma_start3A_166] : memref<192xi32, #tpu.memory_space<vmem>> -> memref<64xi32, #tpu.memory_space<vmem>>
    %dma_start3A_168 = arith.constant 0 : i32
    %dma_start3A_169 = arith.constant 0 : i32
    %dma_start3A_170 = tpu.memref_slice %arg3[%dma_start3A_168, %dma_start3A_169] : memref<1000100x256xf32, #tpu.memory_space<hbm>> -> memref<1000100x256xf32, #tpu.memory_space<hbm>>
    tpu.enqueue_indirect_dma source(%dma_start3A_170 : memref<1000100x256xf32, #tpu.memory_space<hbm>>) target(%dma_start3A_165 : memref<64x256xf32, #tpu.memory_space<vmem>>) offsets(%dma_start3A_167 : memref<64xi32, #tpu.memory_space<vmem>>) semaphore(%arg9 : memref<!tpu.dma_semaphore, #tpu.memory_space<semaphore_mem>>)
    %dma_wait3A = arith.constant 0 : i32
    %dma_wait3A_171 = arith.constant 0 : i32
    %dma_wait3A_172 = tpu.memref_slice %arg6[%dma_wait3A, %dma_wait3A_171] : memref<128x256xf32, #tpu.memory_space<vmem>> -> memref<128x256xf32, #tpu.memory_space<vmem>>
    %dma_wait3A_173 = arith.constant 0 : i32
    %dma_wait3A_174 = tpu.memref_slice %arg5[%dma_wait3A_173] : memref<192xi32, #tpu.memory_space<vmem>> -> memref<128xi32, #tpu.memory_space<vmem>>
    %dma_wait3A_175 = arith.constant 0 : i32
    %dma_wait3A_176 = arith.constant 0 : i32
    %dma_wait3A_177 = tpu.memref_slice %arg3[%dma_wait3A_175, %dma_wait3A_176] : memref<1000100x256xf32, #tpu.memory_space<hbm>> -> memref<1000100x256xf32, #tpu.memory_space<hbm>>
    tpu.wait_indirect_dma semaphore(%arg8 : memref<!tpu.dma_semaphore, #tpu.memory_space<semaphore_mem>>) src(%dma_wait3A_177 : memref<1000100x256xf32, #tpu.memory_space<hbm>>) dst(%dma_wait3A_172 : memref<128x256xf32, #tpu.memory_space<vmem>>)
    %add3A_178 = arith.constant 0 : i32
    %add3A_179 = arith.addi %mul3A_2, %add3A_178 : i32
    "tpu.region"() ({
      %run_scoped3A = tpu.sem_alloc : memref<!tpu.dma_semaphore, #tpu.memory_space<semaphore_mem>>
      %dma_start3A_190 = arith.constant 0 : i32
      %dma_start3A_191 = arith.constant 0 : i32
      %dma_start3A_192 = tpu.memref_slice %arg6[%dma_start3A_190, %dma_start3A_191] : memref<128x256xf32, #tpu.memory_space<vmem>> -> memref<128x256xf32, #tpu.memory_space<vmem>>
      %dma_start3A_193 = arith.constant 0 : i32
      %dma_start3A_194 = tpu.memref_slice %arg4[%add3A_179, %dma_start3A_193] : memref<6144x256xf32, #tpu.memory_space<hbm>> -> memref<128x256xf32, #tpu.memory_space<hbm>>
      %dma_start3A_195 = arith.constant 0 : i32
      %dma_start3A_196 = tpu.memref_slice %arg4[%add3A_179, %dma_start3A_195] : memref<6144x256xf32, #tpu.memory_space<hbm>> -> memref<128x256xf32, #tpu.memory_space<hbm>>
      %dma_start3A_197 = arith.constant 0 : i32
      %dma_start3A_198 = arith.constant 0 : i32
      %dma_start3A_199 = tpu.memref_slice %arg6[%dma_start3A_197, %dma_start3A_198] : memref<128x256xf32, #tpu.memory_space<vmem>> -> memref<128x256xf32, #tpu.memory_space<vmem>>
      tpu.enqueue_dma source(%dma_start3A_199 : memref<128x256xf32, #tpu.memory_space<vmem>>) target(%dma_start3A_196 : memref<128x256xf32, #tpu.memory_space<hbm>>) target_semaphore(%run_scoped3A : memref<!tpu.dma_semaphore, #tpu.memory_space<semaphore_mem>>)
      %dma_wait3A_200 = arith.constant 0 : i32
      %dma_wait3A_201 = arith.constant 0 : i32
      %dma_wait3A_202 = tpu.memref_slice %arg6[%dma_wait3A_200, %dma_wait3A_201] : memref<128x256xf32, #tpu.memory_space<vmem>> -> memref<128x256xf32, #tpu.memory_space<vmem>>
      %dma_wait3A_203 = arith.constant 0 : i32
      %dma_wait3A_204 = tpu.memref_slice %arg4[%add3A_179, %dma_wait3A_203] : memref<6144x256xf32, #tpu.memory_space<hbm>> -> memref<128x256xf32, #tpu.memory_space<hbm>>
      %dma_wait3A_205 = arith.constant 0 : i32
      %dma_wait3A_206 = tpu.memref_slice %arg4[%add3A_179, %dma_wait3A_205] : memref<6144x256xf32, #tpu.memory_space<hbm>> -> memref<128x256xf32, #tpu.memory_space<hbm>>
      %dma_wait3A_207 = arith.constant 0 : i32
      %dma_wait3A_208 = arith.constant 0 : i32
      %dma_wait3A_209 = tpu.memref_slice %arg6[%dma_wait3A_207, %dma_wait3A_208] : memref<128x256xf32, #tpu.memory_space<vmem>> -> memref<128x256xf32, #tpu.memory_space<vmem>>
      tpu.wait_dma2 semaphore(%run_scoped3A : memref<!tpu.dma_semaphore, #tpu.memory_space<semaphore_mem>>) src(%dma_wait3A_209 : memref<128x256xf32, #tpu.memory_space<vmem>>) dst(%dma_wait3A_206 : memref<128x256xf32, #tpu.memory_space<hbm>>)
      tpu.yield
    }) : () -> ()
    %dma_wait3A_180 = arith.constant 0 : i32
    %dma_wait3A_181 = arith.constant 0 : i32
    %dma_wait3A_182 = tpu.memref_slice %arg7[%dma_wait3A_180, %dma_wait3A_181] : memref<128x256xf32, #tpu.memory_space<vmem>> -> memref<64x256xf32, #tpu.memory_space<vmem>>
    %dma_wait3A_183 = arith.constant 128 : i32
    %dma_wait3A_184 = tpu.memref_slice %arg5[%dma_wait3A_183] : memref<192xi32, #tpu.memory_space<vmem>> -> memref<64xi32, #tpu.memory_space<vmem>>
    %dma_wait3A_185 = arith.constant 0 : i32
    %dma_wait3A_186 = arith.constant 0 : i32
    %dma_wait3A_187 = tpu.memref_slice %arg3[%dma_wait3A_185, %dma_wait3A_186] : memref<1000100x256xf32, #tpu.memory_space<hbm>> -> memref<1000100x256xf32, #tpu.memory_space<hbm>>
    tpu.wait_indirect_dma semaphore(%arg9 : memref<!tpu.dma_semaphore, #tpu.memory_space<semaphore_mem>>) src(%dma_wait3A_187 : memref<1000100x256xf32, #tpu.memory_space<hbm>>) dst(%dma_wait3A_182 : memref<64x256xf32, #tpu.memory_space<vmem>>)
    %add3A_188 = arith.constant 128 : i32
    %add3A_189 = arith.addi %mul3A_2, %add3A_188 : i32
    "tpu.region"() ({
      %run_scoped3A = tpu.sem_alloc : memref<!tpu.dma_semaphore, #tpu.memory_space<semaphore_mem>>
      %dma_start3A_190 = arith.constant 0 : i32
      %dma_start3A_191 = arith.constant 0 : i32
      %dma_start3A_192 = tpu.memref_slice %arg7[%dma_start3A_190, %dma_start3A_191] : memref<128x256xf32, #tpu.memory_space<vmem>> -> memref<64x256xf32, #tpu.memory_space<vmem>>
      %dma_start3A_193 = arith.constant 0 : i32
      %dma_start3A_194 = tpu.memref_slice %arg4[%add3A_189, %dma_start3A_193] : memref<6144x256xf32, #tpu.memory_space<hbm>> -> memref<64x256xf32, #tpu.memory_space<hbm>>
      %dma_start3A_195 = arith.constant 0 : i32
      %dma_start3A_196 = tpu.memref_slice %arg4[%add3A_189, %dma_start3A_195] : memref<6144x256xf32, #tpu.memory_space<hbm>> -> memref<64x256xf32, #tpu.memory_space<hbm>>
      %dma_start3A_197 = arith.constant 0 : i32
      %dma_start3A_198 = arith.constant 0 : i32
      %dma_start3A_199 = tpu.memref_slice %arg7[%dma_start3A_197, %dma_start3A_198] : memref<128x256xf32, #tpu.memory_space<vmem>> -> memref<64x256xf32, #tpu.memory_space<vmem>>
      tpu.enqueue_dma source(%dma_start3A_199 : memref<64x256xf32, #tpu.memory_space<vmem>>) target(%dma_start3A_196 : memref<64x256xf32, #tpu.memory_space<hbm>>) target_semaphore(%run_scoped3A : memref<!tpu.dma_semaphore, #tpu.memory_space<semaphore_mem>>)
      %dma_wait3A_200 = arith.constant 0 : i32
      %dma_wait3A_201 = arith.constant 0 : i32
      %dma_wait3A_202 = tpu.memref_slice %arg7[%dma_wait3A_200, %dma_wait3A_201] : memref<128x256xf32, #tpu.memory_space<vmem>> -> memref<64x256xf32, #tpu.memory_space<vmem>>
      %dma_wait3A_203 = arith.constant 0 : i32
      %dma_wait3A_204 = tpu.memref_slice %arg4[%add3A_189, %dma_wait3A_203] : memref<6144x256xf32, #tpu.memory_space<hbm>> -> memref<64x256xf32, #tpu.memory_space<hbm>>
      %dma_wait3A_205 = arith.constant 0 : i32
      %dma_wait3A_206 = tpu.memref_slice %arg4[%add3A_189, %dma_wait3A_205] : memref<6144x256xf32, #tpu.memory_space<hbm>> -> memref<64x256xf32, #tpu.memory_space<hbm>>
      %dma_wait3A_207 = arith.constant 0 : i32
      %dma_wait3A_208 = arith.constant 0 : i32
      %dma_wait3A_209 = tpu.memref_slice %arg7[%dma_wait3A_207, %dma_wait3A_208] : memref<128x256xf32, #tpu.memory_space<vmem>> -> memref<64x256xf32, #tpu.memory_space<vmem>>
      tpu.wait_dma2 semaphore(%run_scoped3A : memref<!tpu.dma_semaphore, #tpu.memory_space<semaphore_mem>>) src(%dma_wait3A_209 : memref<64x256xf32, #tpu.memory_space<vmem>>) dst(%dma_wait3A_206 : memref<64x256xf32, #tpu.memory_space<hbm>>)
      tpu.yield
    }) : () -> ()
    return
  }
}

#map = affine_map<(d0, d1) -> (0)>
#map1 = affine_map<(d0, d1) -> (0, 0)>
module attributes {stable_mosaic.version = 14 : i64} {
  func.func @_gather_body(%arg0: i32, %arg1: i32, %arg2: memref<16384xi32, #tpu.memory_space<hbm>>, %arg3: memref<1000100x256xf32, #tpu.memory_space<hbm>>, %arg4: memref<4096x256xf32, #tpu.memory_space<hbm>>, %arg5: memref<16384x512xf32, #tpu.memory_space<hbm>>, %arg6: memref<128xi32, #tpu.memory_space<vmem>>, %arg7: memref<128x256xf32, #tpu.memory_space<vmem>>, %arg8: memref<128x256xf32, #tpu.memory_space<vmem>>, %arg9: memref<!tpu.dma_semaphore, #tpu.memory_space<semaphore_mem>>, %arg10: memref<!tpu.dma_semaphore, #tpu.memory_space<semaphore_mem>>) attributes {dimension_semantics = [#tpu.dimension_semantics<core_parallel>, #tpu.dimension_semantics<subcore_parallel>], iteration_bounds = array<i64: 2, 16>, scalar_prefetch = 0 : i64, scratch_operands = 5 : i64, tpu.core_type = #tpu.core_type<sc_vector_subcore>, window_params = [{transform_indices = #map}, {transform_indices = #map1}, {transform_indices = #map1}, {transform_indices = #map1}]} {
    %mul3A = arith.constant 2 : i32
    %mul3A_0 = arith.muli %arg1, %mul3A : i32
    %add3A = arith.addi %mul3A_0, %arg0 : i32
    %mul3A_1 = arith.constant 128 : i32
    %mul3A_2 = arith.muli %add3A, %mul3A_1 : i32
    %add3A_3 = arith.constant 0 : i32
    %add3A_4 = arith.addi %add3A_3, %mul3A_2 : i32
    "tpu.region"() ({
      %run_scoped3A = tpu.sem_alloc : memref<!tpu.dma_semaphore, #tpu.memory_space<semaphore_mem>>
      %dma_start3A_120 = tpu.memref_slice %arg2[%add3A_4] : memref<16384xi32, #tpu.memory_space<hbm>> -> memref<128xi32, #tpu.memory_space<hbm>>
      %dma_start3A_121 = tpu.memref_slice %arg2[%add3A_4] : memref<16384xi32, #tpu.memory_space<hbm>> -> memref<128xi32, #tpu.memory_space<hbm>>
      tpu.enqueue_dma source(%dma_start3A_121 : memref<128xi32, #tpu.memory_space<hbm>>) target(%arg6 : memref<128xi32, #tpu.memory_space<vmem>>) target_semaphore(%run_scoped3A : memref<!tpu.dma_semaphore, #tpu.memory_space<semaphore_mem>>)
      %dma_wait3A_122 = tpu.memref_slice %arg2[%add3A_4] : memref<16384xi32, #tpu.memory_space<hbm>> -> memref<128xi32, #tpu.memory_space<hbm>>
      %dma_wait3A_123 = tpu.memref_slice %arg2[%add3A_4] : memref<16384xi32, #tpu.memory_space<hbm>> -> memref<128xi32, #tpu.memory_space<hbm>>
      tpu.wait_dma2 semaphore(%run_scoped3A : memref<!tpu.dma_semaphore, #tpu.memory_space<semaphore_mem>>) src(%dma_wait3A_123 : memref<128xi32, #tpu.memory_space<hbm>>) dst(%arg6 : memref<128xi32, #tpu.memory_space<vmem>>)
      tpu.yield
    }) : () -> ()
    %get3A = arith.constant 0 : index
    %get3A_5 = tpu.vector_load %arg6[%get3A] {strides = array<i32>} : memref<128xi32, #tpu.memory_space<vmem>>, vector<16xi32>,
    %get3A_6 = vector.shape_cast %get3A_5 : vector<16xi32> to vector<16xi32>
    %jit3A = arith.constant 0 : i32
    %jit3A_7 = arith.constant 1000099 : i32
    %max3A = vector.broadcast %jit3A : i32 to vector<16xi32>
    %max3A_8 = arith.maxsi %max3A, %get3A_6 : vector<16xi32>
    %min3A = vector.broadcast %jit3A_7 : i32 to vector<16xi32>
    %min3A_9 = arith.minsi %min3A, %max3A_8 : vector<16xi32>
    %swap3A = arith.constant 0 : index
    %swap3A_10 = tpu.vector_load %arg6[%swap3A] {strides = array<i32>} : memref<128xi32, #tpu.memory_space<vmem>>, vector<16xi32>,
    %swap3A_11 = vector.shape_cast %swap3A_10 : vector<16xi32> to vector<16xi32>
    %swap3A_12 = vector.shape_cast %min3A_9 : vector<16xi32> to vector<16xi32>
    tpu.vector_store %arg6[%swap3A], %swap3A_12 {strides = array<i32>} : memref<128xi32, #tpu.memory_space<vmem>>, vector<16xi32>,
    %get3A_13 = arith.constant 16 : index
    %get3A_14 = tpu.vector_load %arg6[%get3A_13] {strides = array<i32>} : memref<128xi32, #tpu.memory_space<vmem>>, vector<16xi32>,
    %get3A_15 = vector.shape_cast %get3A_14 : vector<16xi32> to vector<16xi32>
    %jit3A_16 = arith.constant 0 : i32
    %jit3A_17 = arith.constant 1000099 : i32
    %max3A_18 = vector.broadcast %jit3A_16 : i32 to vector<16xi32>
    %max3A_19 = arith.maxsi %max3A_18, %get3A_15 : vector<16xi32>
    %min3A_20 = vector.broadcast %jit3A_17 : i32 to vector<16xi32>
    %min3A_21 = arith.minsi %min3A_20, %max3A_19 : vector<16xi32>
    %swap3A_22 = arith.constant 16 : index
    %swap3A_23 = tpu.vector_load %arg6[%swap3A_22] {strides = array<i32>} : memref<128xi32, #tpu.memory_space<vmem>>, vector<16xi32>,
    %swap3A_24 = vector.shape_cast %swap3A_23 : vector<16xi32> to vector<16xi32>
    %swap3A_25 = vector.shape_cast %min3A_21 : vector<16xi32> to vector<16xi32>
    tpu.vector_store %arg6[%swap3A_22], %swap3A_25 {strides = array<i32>} : memref<128xi32, #tpu.memory_space<vmem>>, vector<16xi32>,
    %get3A_26 = arith.constant 32 : index
    %get3A_27 = tpu.vector_load %arg6[%get3A_26] {strides = array<i32>} : memref<128xi32, #tpu.memory_space<vmem>>, vector<16xi32>,
    %get3A_28 = vector.shape_cast %get3A_27 : vector<16xi32> to vector<16xi32>
    %jit3A_29 = arith.constant 0 : i32
    %jit3A_30 = arith.constant 1000099 : i32
    %max3A_31 = vector.broadcast %jit3A_29 : i32 to vector<16xi32>
    %max3A_32 = arith.maxsi %max3A_31, %get3A_28 : vector<16xi32>
    %min3A_33 = vector.broadcast %jit3A_30 : i32 to vector<16xi32>
    %min3A_34 = arith.minsi %min3A_33, %max3A_32 : vector<16xi32>
    %swap3A_35 = arith.constant 32 : index
    %swap3A_36 = tpu.vector_load %arg6[%swap3A_35] {strides = array<i32>} : memref<128xi32, #tpu.memory_space<vmem>>, vector<16xi32>,
    %swap3A_37 = vector.shape_cast %swap3A_36 : vector<16xi32> to vector<16xi32>
    %swap3A_38 = vector.shape_cast %min3A_34 : vector<16xi32> to vector<16xi32>
    tpu.vector_store %arg6[%swap3A_35], %swap3A_38 {strides = array<i32>} : memref<128xi32, #tpu.memory_space<vmem>>, vector<16xi32>,
    %get3A_39 = arith.constant 48 : index
    %get3A_40 = tpu.vector_load %arg6[%get3A_39] {strides = array<i32>} : memref<128xi32, #tpu.memory_space<vmem>>, vector<16xi32>,
    %get3A_41 = vector.shape_cast %get3A_40 : vector<16xi32> to vector<16xi32>
    %jit3A_42 = arith.constant 0 : i32
    %jit3A_43 = arith.constant 1000099 : i32
    %max3A_44 = vector.broadcast %jit3A_42 : i32 to vector<16xi32>
    %max3A_45 = arith.maxsi %max3A_44, %get3A_41 : vector<16xi32>
    %min3A_46 = vector.broadcast %jit3A_43 : i32 to vector<16xi32>
    %min3A_47 = arith.minsi %min3A_46, %max3A_45 : vector<16xi32>
    %swap3A_48 = arith.constant 48 : index
    %swap3A_49 = tpu.vector_load %arg6[%swap3A_48] {strides = array<i32>} : memref<128xi32, #tpu.memory_space<vmem>>, vector<16xi32>,
    %swap3A_50 = vector.shape_cast %swap3A_49 : vector<16xi32> to vector<16xi32>
    %swap3A_51 = vector.shape_cast %min3A_47 : vector<16xi32> to vector<16xi32>
    tpu.vector_store %arg6[%swap3A_48], %swap3A_51 {strides = array<i32>} : memref<128xi32, #tpu.memory_space<vmem>>, vector<16xi32>,
    %get3A_52 = arith.constant 64 : index
    %get3A_53 = tpu.vector_load %arg6[%get3A_52] {strides = array<i32>} : memref<128xi32, #tpu.memory_space<vmem>>, vector<16xi32>,
    %get3A_54 = vector.shape_cast %get3A_53 : vector<16xi32> to vector<16xi32>
    %jit3A_55 = arith.constant 0 : i32
    %jit3A_56 = arith.constant 1000099 : i32
    %max3A_57 = vector.broadcast %jit3A_55 : i32 to vector<16xi32>
    %max3A_58 = arith.maxsi %max3A_57, %get3A_54 : vector<16xi32>
    %min3A_59 = vector.broadcast %jit3A_56 : i32 to vector<16xi32>
    %min3A_60 = arith.minsi %min3A_59, %max3A_58 : vector<16xi32>
    %swap3A_61 = arith.constant 64 : index
    %swap3A_62 = tpu.vector_load %arg6[%swap3A_61] {strides = array<i32>} : memref<128xi32, #tpu.memory_space<vmem>>, vector<16xi32>,
    %swap3A_63 = vector.shape_cast %swap3A_62 : vector<16xi32> to vector<16xi32>
    %swap3A_64 = vector.shape_cast %min3A_60 : vector<16xi32> to vector<16xi32>
    tpu.vector_store %arg6[%swap3A_61], %swap3A_64 {strides = array<i32>} : memref<128xi32, #tpu.memory_space<vmem>>, vector<16xi32>,
    %get3A_65 = arith.constant 80 : index
    %get3A_66 = tpu.vector_load %arg6[%get3A_65] {strides = array<i32>} : memref<128xi32, #tpu.memory_space<vmem>>, vector<16xi32>,
    %get3A_67 = vector.shape_cast %get3A_66 : vector<16xi32> to vector<16xi32>
    %jit3A_68 = arith.constant 0 : i32
    %jit3A_69 = arith.constant 1000099 : i32
    %max3A_70 = vector.broadcast %jit3A_68 : i32 to vector<16xi32>
    %max3A_71 = arith.maxsi %max3A_70, %get3A_67 : vector<16xi32>
    %min3A_72 = vector.broadcast %jit3A_69 : i32 to vector<16xi32>
    %min3A_73 = arith.minsi %min3A_72, %max3A_71 : vector<16xi32>
    %swap3A_74 = arith.constant 80 : index
    %swap3A_75 = tpu.vector_load %arg6[%swap3A_74] {strides = array<i32>} : memref<128xi32, #tpu.memory_space<vmem>>, vector<16xi32>,
    %swap3A_76 = vector.shape_cast %swap3A_75 : vector<16xi32> to vector<16xi32>
    %swap3A_77 = vector.shape_cast %min3A_73 : vector<16xi32> to vector<16xi32>
    tpu.vector_store %arg6[%swap3A_74], %swap3A_77 {strides = array<i32>} : memref<128xi32, #tpu.memory_space<vmem>>, vector<16xi32>,
    %get3A_78 = arith.constant 96 : index
    %get3A_79 = tpu.vector_load %arg6[%get3A_78] {strides = array<i32>} : memref<128xi32, #tpu.memory_space<vmem>>, vector<16xi32>,
    %get3A_80 = vector.shape_cast %get3A_79 : vector<16xi32> to vector<16xi32>
    %jit3A_81 = arith.constant 0 : i32
    %jit3A_82 = arith.constant 1000099 : i32
    %max3A_83 = vector.broadcast %jit3A_81 : i32 to vector<16xi32>
    %max3A_84 = arith.maxsi %max3A_83, %get3A_80 : vector<16xi32>
    %min3A_85 = vector.broadcast %jit3A_82 : i32 to vector<16xi32>
    %min3A_86 = arith.minsi %min3A_85, %max3A_84 : vector<16xi32>
    %swap3A_87 = arith.constant 96 : index
    %swap3A_88 = tpu.vector_load %arg6[%swap3A_87] {strides = array<i32>} : memref<128xi32, #tpu.memory_space<vmem>>, vector<16xi32>,
    %swap3A_89 = vector.shape_cast %swap3A_88 : vector<16xi32> to vector<16xi32>
    %swap3A_90 = vector.shape_cast %min3A_86 : vector<16xi32> to vector<16xi32>
    tpu.vector_store %arg6[%swap3A_87], %swap3A_90 {strides = array<i32>} : memref<128xi32, #tpu.memory_space<vmem>>, vector<16xi32>,
    %get3A_91 = arith.constant 112 : index
    %get3A_92 = tpu.vector_load %arg6[%get3A_91] {strides = array<i32>} : memref<128xi32, #tpu.memory_space<vmem>>, vector<16xi32>,
    %get3A_93 = vector.shape_cast %get3A_92 : vector<16xi32> to vector<16xi32>
    %jit3A_94 = arith.constant 0 : i32
    %jit3A_95 = arith.constant 1000099 : i32
    %max3A_96 = vector.broadcast %jit3A_94 : i32 to vector<16xi32>
    %max3A_97 = arith.maxsi %max3A_96, %get3A_93 : vector<16xi32>
    %min3A_98 = vector.broadcast %jit3A_95 : i32 to vector<16xi32>
    %min3A_99 = arith.minsi %min3A_98, %max3A_97 : vector<16xi32>
    %swap3A_100 = arith.constant 112 : index
    %swap3A_101 = tpu.vector_load %arg6[%swap3A_100] {strides = array<i32>} : memref<128xi32, #tpu.memory_space<vmem>>, vector<16xi32>,
    %swap3A_102 = vector.shape_cast %swap3A_101 : vector<16xi32> to vector<16xi32>
    %swap3A_103 = vector.shape_cast %min3A_99 : vector<16xi32> to vector<16xi32>
    tpu.vector_store %arg6[%swap3A_100], %swap3A_103 {strides = array<i32>} : memref<128xi32, #tpu.memory_space<vmem>>, vector<16xi32>,
    %dma_start3A = arith.constant 0 : i32
    %dma_start3A_104 = arith.constant 0 : i32
    %dma_start3A_105 = tpu.memref_slice %arg7[%dma_start3A, %dma_start3A_104] : memref<128x256xf32, #tpu.memory_space<vmem>> -> memref<128x256xf32, #tpu.memory_space<vmem>>
    %dma_start3A_106 = arith.constant 0 : i32
    %dma_start3A_107 = tpu.memref_slice %arg6[%dma_start3A_106] : memref<128xi32, #tpu.memory_space<vmem>> -> memref<128xi32, #tpu.memory_space<vmem>>
    %dma_start3A_108 = arith.constant 0 : i32
    %dma_start3A_109 = arith.constant 0 : i32
    %dma_start3A_110 = tpu.memref_slice %arg3[%dma_start3A_108, %dma_start3A_109] : memref<1000100x256xf32, #tpu.memory_space<hbm>> -> memref<1000100x256xf32, #tpu.memory_space<hbm>>
    tpu.enqueue_indirect_dma source(%dma_start3A_110 : memref<1000100x256xf32, #tpu.memory_space<hbm>>) target(%dma_start3A_105 : memref<128x256xf32, #tpu.memory_space<vmem>>) offsets(%dma_start3A_107 : memref<128xi32, #tpu.memory_space<vmem>>) semaphore(%arg9 : memref<!tpu.dma_semaphore, #tpu.memory_space<semaphore_mem>>)
    %dma_wait3A = arith.constant 0 : i32
    %dma_wait3A_111 = arith.constant 0 : i32
    %dma_wait3A_112 = tpu.memref_slice %arg7[%dma_wait3A, %dma_wait3A_111] : memref<128x256xf32, #tpu.memory_space<vmem>> -> memref<128x256xf32, #tpu.memory_space<vmem>>
    %dma_wait3A_113 = arith.constant 0 : i32
    %dma_wait3A_114 = tpu.memref_slice %arg6[%dma_wait3A_113] : memref<128xi32, #tpu.memory_space<vmem>> -> memref<128xi32, #tpu.memory_space<vmem>>
    %dma_wait3A_115 = arith.constant 0 : i32
    %dma_wait3A_116 = arith.constant 0 : i32
    %dma_wait3A_117 = tpu.memref_slice %arg3[%dma_wait3A_115, %dma_wait3A_116] : memref<1000100x256xf32, #tpu.memory_space<hbm>> -> memref<1000100x256xf32, #tpu.memory_space<hbm>>
    tpu.wait_indirect_dma semaphore(%arg9 : memref<!tpu.dma_semaphore, #tpu.memory_space<semaphore_mem>>) src(%dma_wait3A_117 : memref<1000100x256xf32, #tpu.memory_space<hbm>>) dst(%dma_wait3A_112 : memref<128x256xf32, #tpu.memory_space<vmem>>)
    %add3A_118 = arith.constant 0 : i32
    %add3A_119 = arith.addi %mul3A_2, %add3A_118 : i32
    "tpu.region"() ({
      %run_scoped3A = tpu.sem_alloc : memref<!tpu.dma_semaphore, #tpu.memory_space<semaphore_mem>>
      %dma_start3A_120 = arith.constant 0 : i32
      %dma_start3A_121 = arith.constant 0 : i32
      %dma_start3A_122 = tpu.memref_slice %arg7[%dma_start3A_120, %dma_start3A_121] : memref<128x256xf32, #tpu.memory_space<vmem>> -> memref<128x256xf32, #tpu.memory_space<vmem>>
      %dma_start3A_123 = arith.constant 0 : i32
      %dma_start3A_124 = tpu.memref_slice %arg4[%add3A_119, %dma_start3A_123] : memref<4096x256xf32, #tpu.memory_space<hbm>> -> memref<128x256xf32, #tpu.memory_space<hbm>>
      %dma_start3A_125 = arith.constant 0 : i32
      %dma_start3A_126 = tpu.memref_slice %arg4[%add3A_119, %dma_start3A_125] : memref<4096x256xf32, #tpu.memory_space<hbm>> -> memref<128x256xf32, #tpu.memory_space<hbm>>
      %dma_start3A_127 = arith.constant 0 : i32
      %dma_start3A_128 = arith.constant 0 : i32
      %dma_start3A_129 = tpu.memref_slice %arg7[%dma_start3A_127, %dma_start3A_128] : memref<128x256xf32, #tpu.memory_space<vmem>> -> memref<128x256xf32, #tpu.memory_space<vmem>>
      tpu.enqueue_dma source(%dma_start3A_129 : memref<128x256xf32, #tpu.memory_space<vmem>>) target(%dma_start3A_126 : memref<128x256xf32, #tpu.memory_space<hbm>>) target_semaphore(%run_scoped3A : memref<!tpu.dma_semaphore, #tpu.memory_space<semaphore_mem>>)
      %dma_wait3A_130 = arith.constant 0 : i32
      %dma_wait3A_131 = arith.constant 0 : i32
      %dma_wait3A_132 = tpu.memref_slice %arg7[%dma_wait3A_130, %dma_wait3A_131] : memref<128x256xf32, #tpu.memory_space<vmem>> -> memref<128x256xf32, #tpu.memory_space<vmem>>
      %dma_wait3A_133 = arith.constant 0 : i32
      %dma_wait3A_134 = tpu.memref_slice %arg4[%add3A_119, %dma_wait3A_133] : memref<4096x256xf32, #tpu.memory_space<hbm>> -> memref<128x256xf32, #tpu.memory_space<hbm>>
      %dma_wait3A_135 = arith.constant 0 : i32
      %dma_wait3A_136 = tpu.memref_slice %arg4[%add3A_119, %dma_wait3A_135] : memref<4096x256xf32, #tpu.memory_space<hbm>> -> memref<128x256xf32, #tpu.memory_space<hbm>>
      %dma_wait3A_137 = arith.constant 0 : i32
      %dma_wait3A_138 = arith.constant 0 : i32
      %dma_wait3A_139 = tpu.memref_slice %arg7[%dma_wait3A_137, %dma_wait3A_138] : memref<128x256xf32, #tpu.memory_space<vmem>> -> memref<128x256xf32, #tpu.memory_space<vmem>>
      tpu.wait_dma2 semaphore(%run_scoped3A : memref<!tpu.dma_semaphore, #tpu.memory_space<semaphore_mem>>) src(%dma_wait3A_139 : memref<128x256xf32, #tpu.memory_space<vmem>>) dst(%dma_wait3A_136 : memref<128x256xf32, #tpu.memory_space<hbm>>)
      tpu.yield
    }) : () -> ()
    return
  }
}

#map = affine_map<(d0, d1) -> (0)>
#map1 = affine_map<(d0, d1) -> (0, 0)>
module attributes {stable_mosaic.version = 14 : i64} {
  func.func @_gather_body(%arg0: i32, %arg1: i32, %arg2: memref<16384xi32, #tpu.memory_space<hbm>>, %arg3: memref<1000100x256xf32, #tpu.memory_space<hbm>>, %arg4: memref<6144x256xf32, #tpu.memory_space<hbm>>, %arg5: memref<192xi32, #tpu.memory_space<vmem>>, %arg6: memref<128x256xf32, #tpu.memory_space<vmem>>, %arg7: memref<128x256xf32, #tpu.memory_space<vmem>>, %arg8: memref<!tpu.dma_semaphore, #tpu.memory_space<semaphore_mem>>, %arg9: memref<!tpu.dma_semaphore, #tpu.memory_space<semaphore_mem>>) attributes {dimension_semantics = [#tpu.dimension_semantics<core_parallel>, #tpu.dimension_semantics<subcore_parallel>], iteration_bounds = array<i64: 2, 16>, scalar_prefetch = 0 : i64, scratch_operands = 5 : i64, tpu.core_type = #tpu.core_type<sc_vector_subcore>, window_params = [{transform_indices = #map}, {transform_indices = #map1}, {transform_indices = #map1}]} {
    %mul3A = arith.constant 2 : i32
    %mul3A_0 = arith.muli %arg1, %mul3A : i32
    %add3A = arith.addi %mul3A_0, %arg0 : i32
    %mul3A_1 = arith.constant 192 : i32
    %mul3A_2 = arith.muli %add3A, %mul3A_1 : i32
    %add3A_3 = arith.constant 10240 : i32
    %add3A_4 = arith.addi %add3A_3, %mul3A_2 : i32
    "tpu.region"() ({
      %run_scoped3A = tpu.sem_alloc : memref<!tpu.dma_semaphore, #tpu.memory_space<semaphore_mem>>
      %dma_start3A_190 = tpu.memref_slice %arg2[%add3A_4] : memref<16384xi32, #tpu.memory_space<hbm>> -> memref<192xi32, #tpu.memory_space<hbm>>
      %dma_start3A_191 = tpu.memref_slice %arg2[%add3A_4] : memref<16384xi32, #tpu.memory_space<hbm>> -> memref<192xi32, #tpu.memory_space<hbm>>
      tpu.enqueue_dma source(%dma_start3A_191 : memref<192xi32, #tpu.memory_space<hbm>>) target(%arg5 : memref<192xi32, #tpu.memory_space<vmem>>) target_semaphore(%run_scoped3A : memref<!tpu.dma_semaphore, #tpu.memory_space<semaphore_mem>>)
      %dma_wait3A_192 = tpu.memref_slice %arg2[%add3A_4] : memref<16384xi32, #tpu.memory_space<hbm>> -> memref<192xi32, #tpu.memory_space<hbm>>
      %dma_wait3A_193 = tpu.memref_slice %arg2[%add3A_4] : memref<16384xi32, #tpu.memory_space<hbm>> -> memref<192xi32, #tpu.memory_space<hbm>>
      tpu.wait_dma2 semaphore(%run_scoped3A : memref<!tpu.dma_semaphore, #tpu.memory_space<semaphore_mem>>) src(%dma_wait3A_193 : memref<192xi32, #tpu.memory_space<hbm>>) dst(%arg5 : memref<192xi32, #tpu.memory_space<vmem>>)
      tpu.yield
    }) : () -> ()
    %get3A = arith.constant 0 : index
    %get3A_5 = tpu.vector_load %arg5[%get3A] {strides = array<i32>} : memref<192xi32, #tpu.memory_space<vmem>>, vector<16xi32>,
    %get3A_6 = vector.shape_cast %get3A_5 : vector<16xi32> to vector<16xi32>
    %jit3A = arith.constant 0 : i32
    %jit3A_7 = arith.constant 1000099 : i32
    %max3A = vector.broadcast %jit3A : i32 to vector<16xi32>
    %max3A_8 = arith.maxsi %max3A, %get3A_6 : vector<16xi32>
    %min3A = vector.broadcast %jit3A_7 : i32 to vector<16xi32>
    %min3A_9 = arith.minsi %min3A, %max3A_8 : vector<16xi32>
    %swap3A = arith.constant 0 : index
    %swap3A_10 = tpu.vector_load %arg5[%swap3A] {strides = array<i32>} : memref<192xi32, #tpu.memory_space<vmem>>, vector<16xi32>,
    %swap3A_11 = vector.shape_cast %swap3A_10 : vector<16xi32> to vector<16xi32>
    %swap3A_12 = vector.shape_cast %min3A_9 : vector<16xi32> to vector<16xi32>
    tpu.vector_store %arg5[%swap3A], %swap3A_12 {strides = array<i32>} : memref<192xi32, #tpu.memory_space<vmem>>, vector<16xi32>,
    %get3A_13 = arith.constant 16 : index
    %get3A_14 = tpu.vector_load %arg5[%get3A_13] {strides = array<i32>} : memref<192xi32, #tpu.memory_space<vmem>>, vector<16xi32>,
    %get3A_15 = vector.shape_cast %get3A_14 : vector<16xi32> to vector<16xi32>
    %jit3A_16 = arith.constant 0 : i32
    %jit3A_17 = arith.constant 1000099 : i32
    %max3A_18 = vector.broadcast %jit3A_16 : i32 to vector<16xi32>
    %max3A_19 = arith.maxsi %max3A_18, %get3A_15 : vector<16xi32>
    %min3A_20 = vector.broadcast %jit3A_17 : i32 to vector<16xi32>
    %min3A_21 = arith.minsi %min3A_20, %max3A_19 : vector<16xi32>
    %swap3A_22 = arith.constant 16 : index
    %swap3A_23 = tpu.vector_load %arg5[%swap3A_22] {strides = array<i32>} : memref<192xi32, #tpu.memory_space<vmem>>, vector<16xi32>,
    %swap3A_24 = vector.shape_cast %swap3A_23 : vector<16xi32> to vector<16xi32>
    %swap3A_25 = vector.shape_cast %min3A_21 : vector<16xi32> to vector<16xi32>
    tpu.vector_store %arg5[%swap3A_22], %swap3A_25 {strides = array<i32>} : memref<192xi32, #tpu.memory_space<vmem>>, vector<16xi32>,
    %get3A_26 = arith.constant 32 : index
    %get3A_27 = tpu.vector_load %arg5[%get3A_26] {strides = array<i32>} : memref<192xi32, #tpu.memory_space<vmem>>, vector<16xi32>,
    %get3A_28 = vector.shape_cast %get3A_27 : vector<16xi32> to vector<16xi32>
    %jit3A_29 = arith.constant 0 : i32
    %jit3A_30 = arith.constant 1000099 : i32
    %max3A_31 = vector.broadcast %jit3A_29 : i32 to vector<16xi32>
    %max3A_32 = arith.maxsi %max3A_31, %get3A_28 : vector<16xi32>
    %min3A_33 = vector.broadcast %jit3A_30 : i32 to vector<16xi32>
    %min3A_34 = arith.minsi %min3A_33, %max3A_32 : vector<16xi32>
    %swap3A_35 = arith.constant 32 : index
    %swap3A_36 = tpu.vector_load %arg5[%swap3A_35] {strides = array<i32>} : memref<192xi32, #tpu.memory_space<vmem>>, vector<16xi32>,
    %swap3A_37 = vector.shape_cast %swap3A_36 : vector<16xi32> to vector<16xi32>
    %swap3A_38 = vector.shape_cast %min3A_34 : vector<16xi32> to vector<16xi32>
    tpu.vector_store %arg5[%swap3A_35], %swap3A_38 {strides = array<i32>} : memref<192xi32, #tpu.memory_space<vmem>>, vector<16xi32>,
    %get3A_39 = arith.constant 48 : index
    %get3A_40 = tpu.vector_load %arg5[%get3A_39] {strides = array<i32>} : memref<192xi32, #tpu.memory_space<vmem>>, vector<16xi32>,
    %get3A_41 = vector.shape_cast %get3A_40 : vector<16xi32> to vector<16xi32>
    %jit3A_42 = arith.constant 0 : i32
    %jit3A_43 = arith.constant 1000099 : i32
    %max3A_44 = vector.broadcast %jit3A_42 : i32 to vector<16xi32>
    %max3A_45 = arith.maxsi %max3A_44, %get3A_41 : vector<16xi32>
    %min3A_46 = vector.broadcast %jit3A_43 : i32 to vector<16xi32>
    %min3A_47 = arith.minsi %min3A_46, %max3A_45 : vector<16xi32>
    %swap3A_48 = arith.constant 48 : index
    %swap3A_49 = tpu.vector_load %arg5[%swap3A_48] {strides = array<i32>} : memref<192xi32, #tpu.memory_space<vmem>>, vector<16xi32>,
    %swap3A_50 = vector.shape_cast %swap3A_49 : vector<16xi32> to vector<16xi32>
    %swap3A_51 = vector.shape_cast %min3A_47 : vector<16xi32> to vector<16xi32>
    tpu.vector_store %arg5[%swap3A_48], %swap3A_51 {strides = array<i32>} : memref<192xi32, #tpu.memory_space<vmem>>, vector<16xi32>,
    %get3A_52 = arith.constant 64 : index
    %get3A_53 = tpu.vector_load %arg5[%get3A_52] {strides = array<i32>} : memref<192xi32, #tpu.memory_space<vmem>>, vector<16xi32>,
    %get3A_54 = vector.shape_cast %get3A_53 : vector<16xi32> to vector<16xi32>
    %jit3A_55 = arith.constant 0 : i32
    %jit3A_56 = arith.constant 1000099 : i32
    %max3A_57 = vector.broadcast %jit3A_55 : i32 to vector<16xi32>
    %max3A_58 = arith.maxsi %max3A_57, %get3A_54 : vector<16xi32>
    %min3A_59 = vector.broadcast %jit3A_56 : i32 to vector<16xi32>
    %min3A_60 = arith.minsi %min3A_59, %max3A_58 : vector<16xi32>
    %swap3A_61 = arith.constant 64 : index
    %swap3A_62 = tpu.vector_load %arg5[%swap3A_61] {strides = array<i32>} : memref<192xi32, #tpu.memory_space<vmem>>, vector<16xi32>,
    %swap3A_63 = vector.shape_cast %swap3A_62 : vector<16xi32> to vector<16xi32>
    %swap3A_64 = vector.shape_cast %min3A_60 : vector<16xi32> to vector<16xi32>
    tpu.vector_store %arg5[%swap3A_61], %swap3A_64 {strides = array<i32>} : memref<192xi32, #tpu.memory_space<vmem>>, vector<16xi32>,
    %get3A_65 = arith.constant 80 : index
    %get3A_66 = tpu.vector_load %arg5[%get3A_65] {strides = array<i32>} : memref<192xi32, #tpu.memory_space<vmem>>, vector<16xi32>,
    %get3A_67 = vector.shape_cast %get3A_66 : vector<16xi32> to vector<16xi32>
    %jit3A_68 = arith.constant 0 : i32
    %jit3A_69 = arith.constant 1000099 : i32
    %max3A_70 = vector.broadcast %jit3A_68 : i32 to vector<16xi32>
    %max3A_71 = arith.maxsi %max3A_70, %get3A_67 : vector<16xi32>
    %min3A_72 = vector.broadcast %jit3A_69 : i32 to vector<16xi32>
    %min3A_73 = arith.minsi %min3A_72, %max3A_71 : vector<16xi32>
    %swap3A_74 = arith.constant 80 : index
    %swap3A_75 = tpu.vector_load %arg5[%swap3A_74] {strides = array<i32>} : memref<192xi32, #tpu.memory_space<vmem>>, vector<16xi32>,
    %swap3A_76 = vector.shape_cast %swap3A_75 : vector<16xi32> to vector<16xi32>
    %swap3A_77 = vector.shape_cast %min3A_73 : vector<16xi32> to vector<16xi32>
    tpu.vector_store %arg5[%swap3A_74], %swap3A_77 {strides = array<i32>} : memref<192xi32, #tpu.memory_space<vmem>>, vector<16xi32>,
    %get3A_78 = arith.constant 96 : index
    %get3A_79 = tpu.vector_load %arg5[%get3A_78] {strides = array<i32>} : memref<192xi32, #tpu.memory_space<vmem>>, vector<16xi32>,
    %get3A_80 = vector.shape_cast %get3A_79 : vector<16xi32> to vector<16xi32>
    %jit3A_81 = arith.constant 0 : i32
    %jit3A_82 = arith.constant 1000099 : i32
    %max3A_83 = vector.broadcast %jit3A_81 : i32 to vector<16xi32>
    %max3A_84 = arith.maxsi %max3A_83, %get3A_80 : vector<16xi32>
    %min3A_85 = vector.broadcast %jit3A_82 : i32 to vector<16xi32>
    %min3A_86 = arith.minsi %min3A_85, %max3A_84 : vector<16xi32>
    %swap3A_87 = arith.constant 96 : index
    %swap3A_88 = tpu.vector_load %arg5[%swap3A_87] {strides = array<i32>} : memref<192xi32, #tpu.memory_space<vmem>>, vector<16xi32>,
    %swap3A_89 = vector.shape_cast %swap3A_88 : vector<16xi32> to vector<16xi32>
    %swap3A_90 = vector.shape_cast %min3A_86 : vector<16xi32> to vector<16xi32>
    tpu.vector_store %arg5[%swap3A_87], %swap3A_90 {strides = array<i32>} : memref<192xi32, #tpu.memory_space<vmem>>, vector<16xi32>,
    %get3A_91 = arith.constant 112 : index
    %get3A_92 = tpu.vector_load %arg5[%get3A_91] {strides = array<i32>} : memref<192xi32, #tpu.memory_space<vmem>>, vector<16xi32>,
    %get3A_93 = vector.shape_cast %get3A_92 : vector<16xi32> to vector<16xi32>
    %jit3A_94 = arith.constant 0 : i32
    %jit3A_95 = arith.constant 1000099 : i32
    %max3A_96 = vector.broadcast %jit3A_94 : i32 to vector<16xi32>
    %max3A_97 = arith.maxsi %max3A_96, %get3A_93 : vector<16xi32>
    %min3A_98 = vector.broadcast %jit3A_95 : i32 to vector<16xi32>
    %min3A_99 = arith.minsi %min3A_98, %max3A_97 : vector<16xi32>
    %swap3A_100 = arith.constant 112 : index
    %swap3A_101 = tpu.vector_load %arg5[%swap3A_100] {strides = array<i32>} : memref<192xi32, #tpu.memory_space<vmem>>, vector<16xi32>,
    %swap3A_102 = vector.shape_cast %swap3A_101 : vector<16xi32> to vector<16xi32>
    %swap3A_103 = vector.shape_cast %min3A_99 : vector<16xi32> to vector<16xi32>
    tpu.vector_store %arg5[%swap3A_100], %swap3A_103 {strides = array<i32>} : memref<192xi32, #tpu.memory_space<vmem>>, vector<16xi32>,
    %get3A_104 = arith.constant 128 : index
    %get3A_105 = tpu.vector_load %arg5[%get3A_104] {strides = array<i32>} : memref<192xi32, #tpu.memory_space<vmem>>, vector<16xi32>,
    %get3A_106 = vector.shape_cast %get3A_105 : vector<16xi32> to vector<16xi32>
    %jit3A_107 = arith.constant 0 : i32
    %jit3A_108 = arith.constant 1000099 : i32
    %max3A_109 = vector.broadcast %jit3A_107 : i32 to vector<16xi32>
    %max3A_110 = arith.maxsi %max3A_109, %get3A_106 : vector<16xi32>
    %min3A_111 = vector.broadcast %jit3A_108 : i32 to vector<16xi32>
    %min3A_112 = arith.minsi %min3A_111, %max3A_110 : vector<16xi32>
    %swap3A_113 = arith.constant 128 : index
    %swap3A_114 = tpu.vector_load %arg5[%swap3A_113] {strides = array<i32>} : memref<192xi32, #tpu.memory_space<vmem>>, vector<16xi32>,
    %swap3A_115 = vector.shape_cast %swap3A_114 : vector<16xi32> to vector<16xi32>
    %swap3A_116 = vector.shape_cast %min3A_112 : vector<16xi32> to vector<16xi32>
    tpu.vector_store %arg5[%swap3A_113], %swap3A_116 {strides = array<i32>} : memref<192xi32, #tpu.memory_space<vmem>>, vector<16xi32>,
    %get3A_117 = arith.constant 144 : index
    %get3A_118 = tpu.vector_load %arg5[%get3A_117] {strides = array<i32>} : memref<192xi32, #tpu.memory_space<vmem>>, vector<16xi32>,
    %get3A_119 = vector.shape_cast %get3A_118 : vector<16xi32> to vector<16xi32>
    %jit3A_120 = arith.constant 0 : i32
    %jit3A_121 = arith.constant 1000099 : i32
    %max3A_122 = vector.broadcast %jit3A_120 : i32 to vector<16xi32>
    %max3A_123 = arith.maxsi %max3A_122, %get3A_119 : vector<16xi32>
    %min3A_124 = vector.broadcast %jit3A_121 : i32 to vector<16xi32>
    %min3A_125 = arith.minsi %min3A_124, %max3A_123 : vector<16xi32>
    %swap3A_126 = arith.constant 144 : index
    %swap3A_127 = tpu.vector_load %arg5[%swap3A_126] {strides = array<i32>} : memref<192xi32, #tpu.memory_space<vmem>>, vector<16xi32>,
    %swap3A_128 = vector.shape_cast %swap3A_127 : vector<16xi32> to vector<16xi32>
    %swap3A_129 = vector.shape_cast %min3A_125 : vector<16xi32> to vector<16xi32>
    tpu.vector_store %arg5[%swap3A_126], %swap3A_129 {strides = array<i32>} : memref<192xi32, #tpu.memory_space<vmem>>, vector<16xi32>,
    %get3A_130 = arith.constant 160 : index
    %get3A_131 = tpu.vector_load %arg5[%get3A_130] {strides = array<i32>} : memref<192xi32, #tpu.memory_space<vmem>>, vector<16xi32>,
    %get3A_132 = vector.shape_cast %get3A_131 : vector<16xi32> to vector<16xi32>
    %jit3A_133 = arith.constant 0 : i32
    %jit3A_134 = arith.constant 1000099 : i32
    %max3A_135 = vector.broadcast %jit3A_133 : i32 to vector<16xi32>
    %max3A_136 = arith.maxsi %max3A_135, %get3A_132 : vector<16xi32>
    %min3A_137 = vector.broadcast %jit3A_134 : i32 to vector<16xi32>
    %min3A_138 = arith.minsi %min3A_137, %max3A_136 : vector<16xi32>
    %swap3A_139 = arith.constant 160 : index
    %swap3A_140 = tpu.vector_load %arg5[%swap3A_139] {strides = array<i32>} : memref<192xi32, #tpu.memory_space<vmem>>, vector<16xi32>,
    %swap3A_141 = vector.shape_cast %swap3A_140 : vector<16xi32> to vector<16xi32>
    %swap3A_142 = vector.shape_cast %min3A_138 : vector<16xi32> to vector<16xi32>
    tpu.vector_store %arg5[%swap3A_139], %swap3A_142 {strides = array<i32>} : memref<192xi32, #tpu.memory_space<vmem>>, vector<16xi32>,
    %get3A_143 = arith.constant 176 : index
    %get3A_144 = tpu.vector_load %arg5[%get3A_143] {strides = array<i32>} : memref<192xi32, #tpu.memory_space<vmem>>, vector<16xi32>,
    %get3A_145 = vector.shape_cast %get3A_144 : vector<16xi32> to vector<16xi32>
    %jit3A_146 = arith.constant 0 : i32
    %jit3A_147 = arith.constant 1000099 : i32
    %max3A_148 = vector.broadcast %jit3A_146 : i32 to vector<16xi32>
    %max3A_149 = arith.maxsi %max3A_148, %get3A_145 : vector<16xi32>
    %min3A_150 = vector.broadcast %jit3A_147 : i32 to vector<16xi32>
    %min3A_151 = arith.minsi %min3A_150, %max3A_149 : vector<16xi32>
    %swap3A_152 = arith.constant 176 : index
    %swap3A_153 = tpu.vector_load %arg5[%swap3A_152] {strides = array<i32>} : memref<192xi32, #tpu.memory_space<vmem>>, vector<16xi32>,
    %swap3A_154 = vector.shape_cast %swap3A_153 : vector<16xi32> to vector<16xi32>
    %swap3A_155 = vector.shape_cast %min3A_151 : vector<16xi32> to vector<16xi32>
    tpu.vector_store %arg5[%swap3A_152], %swap3A_155 {strides = array<i32>} : memref<192xi32, #tpu.memory_space<vmem>>, vector<16xi32>,
    %dma_start3A = arith.constant 0 : i32
    %dma_start3A_156 = arith.constant 0 : i32
    %dma_start3A_157 = tpu.memref_slice %arg6[%dma_start3A, %dma_start3A_156] : memref<128x256xf32, #tpu.memory_space<vmem>> -> memref<128x256xf32, #tpu.memory_space<vmem>>
    %dma_start3A_158 = arith.constant 0 : i32
    %dma_start3A_159 = tpu.memref_slice %arg5[%dma_start3A_158] : memref<192xi32, #tpu.memory_space<vmem>> -> memref<128xi32, #tpu.memory_space<vmem>>
    %dma_start3A_160 = arith.constant 0 : i32
    %dma_start3A_161 = arith.constant 0 : i32
    %dma_start3A_162 = tpu.memref_slice %arg3[%dma_start3A_160, %dma_start3A_161] : memref<1000100x256xf32, #tpu.memory_space<hbm>> -> memref<1000100x256xf32, #tpu.memory_space<hbm>>
    tpu.enqueue_indirect_dma source(%dma_start3A_162 : memref<1000100x256xf32, #tpu.memory_space<hbm>>) target(%dma_start3A_157 : memref<128x256xf32, #tpu.memory_space<vmem>>) offsets(%dma_start3A_159 : memref<128xi32, #tpu.memory_space<vmem>>) semaphore(%arg8 : memref<!tpu.dma_semaphore, #tpu.memory_space<semaphore_mem>>)
    %dma_start3A_163 = arith.constant 0 : i32
    %dma_start3A_164 = arith.constant 0 : i32
    %dma_start3A_165 = tpu.memref_slice %arg7[%dma_start3A_163, %dma_start3A_164] : memref<128x256xf32, #tpu.memory_space<vmem>> -> memref<64x256xf32, #tpu.memory_space<vmem>>
    %dma_start3A_166 = arith.constant 128 : i32
    %dma_start3A_167 = tpu.memref_slice %arg5[%dma_start3A_166] : memref<192xi32, #tpu.memory_space<vmem>> -> memref<64xi32, #tpu.memory_space<vmem>>
    %dma_start3A_168 = arith.constant 0 : i32
    %dma_start3A_169 = arith.constant 0 : i32
    %dma_start3A_170 = tpu.memref_slice %arg3[%dma_start3A_168, %dma_start3A_169] : memref<1000100x256xf32, #tpu.memory_space<hbm>> -> memref<1000100x256xf32, #tpu.memory_space<hbm>>
    tpu.enqueue_indirect_dma source(%dma_start3A_170 : memref<1000100x256xf32, #tpu.memory_space<hbm>>) target(%dma_start3A_165 : memref<64x256xf32, #tpu.memory_space<vmem>>) offsets(%dma_start3A_167 : memref<64xi32, #tpu.memory_space<vmem>>) semaphore(%arg9 : memref<!tpu.dma_semaphore, #tpu.memory_space<semaphore_mem>>)
    %dma_wait3A = arith.constant 0 : i32
    %dma_wait3A_171 = arith.constant 0 : i32
    %dma_wait3A_172 = tpu.memref_slice %arg6[%dma_wait3A, %dma_wait3A_171] : memref<128x256xf32, #tpu.memory_space<vmem>> -> memref<128x256xf32, #tpu.memory_space<vmem>>
    %dma_wait3A_173 = arith.constant 0 : i32
    %dma_wait3A_174 = tpu.memref_slice %arg5[%dma_wait3A_173] : memref<192xi32, #tpu.memory_space<vmem>> -> memref<128xi32, #tpu.memory_space<vmem>>
    %dma_wait3A_175 = arith.constant 0 : i32
    %dma_wait3A_176 = arith.constant 0 : i32
    %dma_wait3A_177 = tpu.memref_slice %arg3[%dma_wait3A_175, %dma_wait3A_176] : memref<1000100x256xf32, #tpu.memory_space<hbm>> -> memref<1000100x256xf32, #tpu.memory_space<hbm>>
    tpu.wait_indirect_dma semaphore(%arg8 : memref<!tpu.dma_semaphore, #tpu.memory_space<semaphore_mem>>) src(%dma_wait3A_177 : memref<1000100x256xf32, #tpu.memory_space<hbm>>) dst(%dma_wait3A_172 : memref<128x256xf32, #tpu.memory_space<vmem>>)
    %add3A_178 = arith.constant 0 : i32
    %add3A_179 = arith.addi %mul3A_2, %add3A_178 : i32
    "tpu.region"() ({
      %run_scoped3A = tpu.sem_alloc : memref<!tpu.dma_semaphore, #tpu.memory_space<semaphore_mem>>
      %dma_start3A_190 = arith.constant 0 : i32
      %dma_start3A_191 = arith.constant 0 : i32
      %dma_start3A_192 = tpu.memref_slice %arg6[%dma_start3A_190, %dma_start3A_191] : memref<128x256xf32, #tpu.memory_space<vmem>> -> memref<128x256xf32, #tpu.memory_space<vmem>>
      %dma_start3A_193 = arith.constant 0 : i32
      %dma_start3A_194 = tpu.memref_slice %arg4[%add3A_179, %dma_start3A_193] : memref<6144x256xf32, #tpu.memory_space<hbm>> -> memref<128x256xf32, #tpu.memory_space<hbm>>
      %dma_start3A_195 = arith.constant 0 : i32
      %dma_start3A_196 = tpu.memref_slice %arg4[%add3A_179, %dma_start3A_195] : memref<6144x256xf32, #tpu.memory_space<hbm>> -> memref<128x256xf32, #tpu.memory_space<hbm>>
      %dma_start3A_197 = arith.constant 0 : i32
      %dma_start3A_198 = arith.constant 0 : i32
      %dma_start3A_199 = tpu.memref_slice %arg6[%dma_start3A_197, %dma_start3A_198] : memref<128x256xf32, #tpu.memory_space<vmem>> -> memref<128x256xf32, #tpu.memory_space<vmem>>
      tpu.enqueue_dma source(%dma_start3A_199 : memref<128x256xf32, #tpu.memory_space<vmem>>) target(%dma_start3A_196 : memref<128x256xf32, #tpu.memory_space<hbm>>) target_semaphore(%run_scoped3A : memref<!tpu.dma_semaphore, #tpu.memory_space<semaphore_mem>>)
      %dma_wait3A_200 = arith.constant 0 : i32
      %dma_wait3A_201 = arith.constant 0 : i32
      %dma_wait3A_202 = tpu.memref_slice %arg6[%dma_wait3A_200, %dma_wait3A_201] : memref<128x256xf32, #tpu.memory_space<vmem>> -> memref<128x256xf32, #tpu.memory_space<vmem>>
      %dma_wait3A_203 = arith.constant 0 : i32
      %dma_wait3A_204 = tpu.memref_slice %arg4[%add3A_179, %dma_wait3A_203] : memref<6144x256xf32, #tpu.memory_space<hbm>> -> memref<128x256xf32, #tpu.memory_space<hbm>>
      %dma_wait3A_205 = arith.constant 0 : i32
      %dma_wait3A_206 = tpu.memref_slice %arg4[%add3A_179, %dma_wait3A_205] : memref<6144x256xf32, #tpu.memory_space<hbm>> -> memref<128x256xf32, #tpu.memory_space<hbm>>
      %dma_wait3A_207 = arith.constant 0 : i32
      %dma_wait3A_208 = arith.constant 0 : i32
      %dma_wait3A_209 = tpu.memref_slice %arg6[%dma_wait3A_207, %dma_wait3A_208] : memref<128x256xf32, #tpu.memory_space<vmem>> -> memref<128x256xf32, #tpu.memory_space<vmem>>
      tpu.wait_dma2 semaphore(%run_scoped3A : memref<!tpu.dma_semaphore, #tpu.memory_space<semaphore_mem>>) src(%dma_wait3A_209 : memref<128x256xf32, #tpu.memory_space<vmem>>) dst(%dma_wait3A_206 : memref<128x256xf32, #tpu.memory_space<hbm>>)
      tpu.yield
    }) : () -> ()
    %dma_wait3A_180 = arith.constant 0 : i32
    %dma_wait3A_181 = arith.constant 0 : i32
    %dma_wait3A_182 = tpu.memref_slice %arg7[%dma_wait3A_180, %dma_wait3A_181] : memref<128x256xf32, #tpu.memory_space<vmem>> -> memref<64x256xf32, #tpu.memory_space<vmem>>
    %dma_wait3A_183 = arith.constant 128 : i32
    %dma_wait3A_184 = tpu.memref_slice %arg5[%dma_wait3A_183] : memref<192xi32, #tpu.memory_space<vmem>> -> memref<64xi32, #tpu.memory_space<vmem>>
    %dma_wait3A_185 = arith.constant 0 : i32
    %dma_wait3A_186 = arith.constant 0 : i32
    %dma_wait3A_187 = tpu.memref_slice %arg3[%dma_wait3A_185, %dma_wait3A_186] : memref<1000100x256xf32, #tpu.memory_space<hbm>> -> memref<1000100x256xf32, #tpu.memory_space<hbm>>
    tpu.wait_indirect_dma semaphore(%arg9 : memref<!tpu.dma_semaphore, #tpu.memory_space<semaphore_mem>>) src(%dma_wait3A_187 : memref<1000100x256xf32, #tpu.memory_space<hbm>>) dst(%dma_wait3A_182 : memref<64x256xf32, #tpu.memory_space<vmem>>)
    %add3A_188 = arith.constant 128 : i32
    %add3A_189 = arith.addi %mul3A_2, %add3A_188 : i32
    "tpu.region"() ({
      %run_scoped3A = tpu.sem_alloc : memref<!tpu.dma_semaphore, #tpu.memory_space<semaphore_mem>>
      %dma_start3A_190 = arith.constant 0 : i32
      %dma_start3A_191 = arith.constant 0 : i32
      %dma_start3A_192 = tpu.memref_slice %arg7[%dma_start3A_190, %dma_start3A_191] : memref<128x256xf32, #tpu.memory_space<vmem>> -> memref<64x256xf32, #tpu.memory_space<vmem>>
      %dma_start3A_193 = arith.constant 0 : i32
      %dma_start3A_194 = tpu.memref_slice %arg4[%add3A_189, %dma_start3A_193] : memref<6144x256xf32, #tpu.memory_space<hbm>> -> memref<64x256xf32, #tpu.memory_space<hbm>>
      %dma_start3A_195 = arith.constant 0 : i32
      %dma_start3A_196 = tpu.memref_slice %arg4[%add3A_189, %dma_start3A_195] : memref<6144x256xf32, #tpu.memory_space<hbm>> -> memref<64x256xf32, #tpu.memory_space<hbm>>
      %dma_start3A_197 = arith.constant 0 : i32
      %dma_start3A_198 = arith.constant 0 : i32
      %dma_start3A_199 = tpu.memref_slice %arg7[%dma_start3A_197, %dma_start3A_198] : memref<128x256xf32, #tpu.memory_space<vmem>> -> memref<64x256xf32, #tpu.memory_space<vmem>>
      tpu.enqueue_dma source(%dma_start3A_199 : memref<64x256xf32, #tpu.memory_space<vmem>>) target(%dma_start3A_196 : memref<64x256xf32, #tpu.memory_space<hbm>>) target_semaphore(%run_scoped3A : memref<!tpu.dma_semaphore, #tpu.memory_space<semaphore_mem>>)
      %dma_wait3A_200 = arith.constant 0 : i32
      %dma_wait3A_201 = arith.constant 0 : i32
      %dma_wait3A_202 = tpu.memref_slice %arg7[%dma_wait3A_200, %dma_wait3A_201] : memref<128x256xf32, #tpu.memory_space<vmem>> -> memref<64x256xf32, #tpu.memory_space<vmem>>
      %dma_wait3A_203 = arith.constant 0 : i32
      %dma_wait3A_204 = tpu.memref_slice %arg4[%add3A_189, %dma_wait3A_203] : memref<6144x256xf32, #tpu.memory_space<hbm>> -> memref<64x256xf32, #tpu.memory_space<hbm>>
      %dma_wait3A_205 = arith.constant 0 : i32
      %dma_wait3A_206 = tpu.memref_slice %arg4[%add3A_189, %dma_wait3A_205] : memref<6144x256xf32, #tpu.memory_space<hbm>> -> memref<64x256xf32, #tpu.memory_space<hbm>>
      %dma_wait3A_207 = arith.constant 0 : i32
      %dma_wait3A_208 = arith.constant 0 : i32
      %dma_wait3A_209 = tpu.memref_slice %arg7[%dma_wait3A_207, %dma_wait3A_208] : memref<128x256xf32, #tpu.memory_space<vmem>> -> memref<64x256xf32, #tpu.memory_space<vmem>>
      tpu.wait_dma2 semaphore(%run_scoped3A : memref<!tpu.dma_semaphore, #tpu.memory_space<semaphore_mem>>) src(%dma_wait3A_209 : memref<64x256xf32, #tpu.memory_space<vmem>>) dst(%dma_wait3A_206 : memref<64x256xf32, #tpu.memory_space<hbm>>)
      tpu.yield
    }) : () -> ()
    return
  }
}

module attributes {stable_mosaic.version = 14 : i64} {
  func.func @_mlp_alias_body(%arg0: i32, %arg1: memref<16384x512xf32, #tpu.memory_space<any>>, %arg2: memref<2048x256xf32, #tpu.memory_space<vmem>>, %arg3: memref<2048x64xf32, #tpu.memory_space<vmem>>, %arg4: memref<64x256xf32, #tpu.memory_space<vmem>>, %arg5: memref<256xf32, #tpu.memory_space<vmem>>, %arg6: memref<512x512xf32, #tpu.memory_space<vmem>>, %arg7: memref<512xf32, #tpu.memory_space<vmem>>, %arg8: memref<512xf32, #tpu.memory_space<vmem>>, %arg9: memref<512xf32, #tpu.memory_space<vmem>>, %arg10: memref<512x512xf32, #tpu.memory_space<vmem>>, %arg11: memref<512xf32, #tpu.memory_space<vmem>>, %arg12: memref<2048x512xf32, #tpu.memory_space<vmem>>) attributes {dimension_semantics = [#tpu.dimension_semantics<arbitrary>], iteration_bounds = array<i64: 2>, scalar_prefetch = 0 : i64, scratch_operands = 0 : i64, tpu.core_type = #tpu.core_type<tc>, window_params = [{}, {transform_indices = @transform_1, window_bounds = array<i64: 2048, 256>}, {transform_indices = @transform_2, window_bounds = array<i64: 2048, 64>}, {pipeline_mode = #tpu.pipeline_mode<synchronous>, transform_indices = @transform_3, window_bounds = array<i64: 64, 256>}, {pipeline_mode = #tpu.pipeline_mode<synchronous>, transform_indices = @transform_4, window_bounds = array<i64: 256>}, {pipeline_mode = #tpu.pipeline_mode<synchronous>, transform_indices = @transform_5, window_bounds = array<i64: 512, 512>}, {pipeline_mode = #tpu.pipeline_mode<synchronous>, transform_indices = @transform_6, window_bounds = array<i64: 512>}, {pipeline_mode = #tpu.pipeline_mode<synchronous>, transform_indices = @transform_7, window_bounds = array<i64: 512>}, {pipeline_mode = #tpu.pipeline_mode<synchronous>, transform_indices = @transform_8, window_bounds = array<i64: 512>}, {pipeline_mode = #tpu.pipeline_mode<synchronous>, transform_indices = @transform_9, window_bounds = array<i64: 512, 512>}, {pipeline_mode = #tpu.pipeline_mode<synchronous>, transform_indices = @transform_10, window_bounds = array<i64: 512>}, {transform_indices = @transform_11, window_bounds = array<i64: 2048, 512>}]} {
    %get3A = arith.constant 0 : index
    %get3A_0 = arith.constant 0 : index
    %get3A_1 = vector.load %arg3[%get3A, %get3A_0] : memref<2048x64xf32, #tpu.memory_space<vmem>>, vector<2048x64xf32>
    %get3A_2 = arith.constant 0 : index
    %get3A_3 = arith.constant 0 : index
    %get3A_4 = vector.load %arg4[%get3A_2, %get3A_3] : memref<64x256xf32, #tpu.memory_space<vmem>>, vector<64x256xf32>
    %dot_general3A = arith.constant dense<0.000000e+00> : vector<2048x256xf32>
    %dot_general3A_5 = tpu.matmul %get3A_1, %get3A_4, %dot_general3A {dimension_numbers = #tpu.dot_dimension_numbers<[1], [0], [0], [1], [0, 0, 1, 1], [], []>, transpose_lhs_hint = false} : vector<2048x64xf32>, vector<64x256xf32>, vector<2048x256xf32> -> vector<2048x256xf32>
    %get3A_6 = arith.constant 0 : index
    %get3A_7 = vector.load %arg5[%get3A_6] : memref<256xf32, #tpu.memory_space<vmem>>, vector<256xf32>
    %broadcast_in_dim3A = vector.shape_cast %get3A_7 : vector<256xf32> to vector<1x256xf32>
    %add3A = vector.broadcast %broadcast_in_dim3A : vector<1x256xf32> to vector<2048x256xf32>
    %add3A_8 = arith.addf %dot_general3A_5, %add3A : vector<2048x256xf32>
    %get3A_9 = arith.constant 0 : index
    %get3A_10 = arith.constant 0 : index
    %get3A_11 = vector.load %arg2[%get3A_9, %get3A_10] : memref<2048x256xf32, #tpu.memory_space<vmem>>, vector<2048x256xf32>
    %get3A_12 = arith.constant 0 : index
    %get3A_13 = arith.constant 0 : index
    %get3A_14 = vector.load %arg6[%get3A_12, %get3A_13] : memref<512x512xf32, #tpu.memory_space<vmem>>, vector<256x512xf32>
    %dot_general3A_15 = arith.constant dense<0.000000e+00> : vector<2048x512xf32>
    %dot_general3A_16 = tpu.matmul %get3A_11, %get3A_14, %dot_general3A_15 {dimension_numbers = #tpu.dot_dimension_numbers<[1], [0], [0], [1], [0, 0, 1, 1], [], []>, transpose_lhs_hint = false} : vector<2048x256xf32>, vector<256x512xf32>, vector<2048x512xf32> -> vector<2048x512xf32>
    %get3A_17 = arith.constant 256 : index
    %get3A_18 = arith.constant 0 : index
    %get3A_19 = vector.load %arg6[%get3A_17, %get3A_18] : memref<512x512xf32, #tpu.memory_space<vmem>>, vector<256x512xf32>
    %dot_general3A_20 = arith.constant dense<0.000000e+00> : vector<2048x512xf32>
    %dot_general3A_21 = tpu.matmul %add3A_8, %get3A_19, %dot_general3A_20 {dimension_numbers = #tpu.dot_dimension_numbers<[1], [0], [0], [1], [0, 0, 1, 1], [], []>, transpose_lhs_hint = false} : vector<2048x256xf32>, vector<256x512xf32>, vector<2048x512xf32> -> vector<2048x512xf32>
    %add3A_22 = arith.addf %dot_general3A_16, %dot_general3A_21 : vector<2048x512xf32>
    %get3A_23 = arith.constant 0 : index
    %get3A_24 = vector.load %arg7[%get3A_23] : memref<512xf32, #tpu.memory_space<vmem>>, vector<512xf32>
    %broadcast_in_dim3A_25 = vector.shape_cast %get3A_24 : vector<512xf32> to vector<1x512xf32>
    %add3A_26 = vector.broadcast %broadcast_in_dim3A_25 : vector<1x512xf32> to vector<2048x512xf32>
    %add3A_27 = arith.addf %add3A_22, %add3A_26 : vector<2048x512xf32>
    %reduce_sum3A = arith.constant dense<0.000000e+00> : vector<2048xf32>
    %reduce_sum3A_28 = vector.multi_reduction <add>, %add3A_27, %reduce_sum3A [1] : vector<2048x512xf32> to vector<2048xf32>
    %broadcast_in_dim3A_29 = vector.shape_cast %reduce_sum3A_28 : vector<2048xf32> to vector<2048x1xf32>
    %div3A = arith.constant 5.120000e+02 : f32
    %div3A_30 = vector.broadcast %div3A : f32 to vector<2048x1xf32>
    %div3A_31 = arith.divf %broadcast_in_dim3A_29, %div3A_30 : vector<2048x1xf32>
    %sub3A = vector.broadcast %div3A_31 : vector<2048x1xf32> to vector<2048x512xf32>
    %sub3A_32 = arith.subf %add3A_27, %sub3A : vector<2048x512xf32>
    %square3A = arith.mulf %sub3A_32, %sub3A_32 : vector<2048x512xf32>
    %reduce_sum3A_33 = arith.constant dense<0.000000e+00> : vector<2048xf32>
    %reduce_sum3A_34 = vector.multi_reduction <add>, %square3A, %reduce_sum3A_33 [1] : vector<2048x512xf32> to vector<2048xf32>
    %broadcast_in_dim3A_35 = vector.shape_cast %reduce_sum3A_34 : vector<2048xf32> to vector<2048x1xf32>
    %div3A_36 = arith.constant 5.120000e+02 : f32
    %div3A_37 = vector.broadcast %div3A_36 : f32 to vector<2048x1xf32>
    %div3A_38 = arith.divf %broadcast_in_dim3A_35, %div3A_37 : vector<2048x1xf32>
    %sub3A_39 = vector.broadcast %div3A_31 : vector<2048x1xf32> to vector<2048x512xf32>
    %sub3A_40 = arith.subf %add3A_27, %sub3A_39 : vector<2048x512xf32>
    %add3A_41 = arith.constant 9.99999974E-6 : f32
    %add3A_42 = vector.broadcast %add3A_41 : f32 to vector<2048x1xf32>
    %add3A_43 = arith.addf %div3A_38, %add3A_42 : vector<2048x1xf32>
    %rsqrt3A = math.rsqrt %add3A_43 : vector<2048x1xf32>
    %mul3A = vector.broadcast %rsqrt3A : vector<2048x1xf32> to vector<2048x512xf32>
    %mul3A_44 = arith.mulf %sub3A_40, %mul3A : vector<2048x512xf32>
    %get3A_45 = arith.constant 0 : index
    %get3A_46 = vector.load %arg8[%get3A_45] : memref<512xf32, #tpu.memory_space<vmem>>, vector<512xf32>
    %broadcast_in_dim3A_47 = vector.shape_cast %get3A_46 : vector<512xf32> to vector<1x512xf32>
    %mul3A_48 = vector.broadcast %broadcast_in_dim3A_47 : vector<1x512xf32> to vector<2048x512xf32>
    %mul3A_49 = arith.mulf %mul3A_44, %mul3A_48 : vector<2048x512xf32>
    %get3A_50 = arith.constant 0 : index
    %get3A_51 = vector.load %arg9[%get3A_50] : memref<512xf32, #tpu.memory_space<vmem>>, vector<512xf32>
    %broadcast_in_dim3A_52 = vector.shape_cast %get3A_51 : vector<512xf32> to vector<1x512xf32>
    %add3A_53 = vector.broadcast %broadcast_in_dim3A_52 : vector<1x512xf32> to vector<2048x512xf32>
    %add3A_54 = arith.addf %mul3A_49, %add3A_53 : vector<2048x512xf32>
    %mul3A_55 = arith.constant 5.000000e-01 : f32
    %mul3A_56 = vector.broadcast %mul3A_55 : f32 to vector<2048x512xf32>
    %mul3A_57 = arith.mulf %mul3A_56, %add3A_54 : vector<2048x512xf32>
    %mul3A_58 = arith.constant 0.707106769 : f32
    %mul3A_59 = vector.broadcast %mul3A_58 : f32 to vector<2048x512xf32>
    %mul3A_60 = arith.mulf %add3A_54, %mul3A_59 : vector<2048x512xf32>
    %erf3A = math.erf %mul3A_60 : vector<2048x512xf32>
    %add3A_61 = arith.constant 1.000000e+00 : f32
    %add3A_62 = vector.broadcast %add3A_61 : f32 to vector<2048x512xf32>
    %add3A_63 = arith.addf %add3A_62, %erf3A : vector<2048x512xf32>
    %mul3A_64 = arith.mulf %mul3A_57, %add3A_63 : vector<2048x512xf32>
    %get3A_65 = arith.constant 0 : index
    %get3A_66 = arith.constant 0 : index
    %get3A_67 = vector.load %arg10[%get3A_65, %get3A_66] : memref<512x512xf32, #tpu.memory_space<vmem>>, vector<512x512xf32>
    %dot_general3A_68 = arith.constant dense<0.000000e+00> : vector<2048x512xf32>
    %dot_general3A_69 = tpu.matmul %mul3A_64, %get3A_67, %dot_general3A_68 {dimension_numbers = #tpu.dot_dimension_numbers<[1], [0], [0], [1], [0, 0, 1, 1], [], []>, transpose_lhs_hint = false} : vector<2048x512xf32>, vector<512x512xf32>, vector<2048x512xf32> -> vector<2048x512xf32>
    %get3A_70 = arith.constant 0 : index
    %get3A_71 = vector.load %arg11[%get3A_70] : memref<512xf32, #tpu.memory_space<vmem>>, vector<512xf32>
    %broadcast_in_dim3A_72 = vector.shape_cast %get3A_71 : vector<512xf32> to vector<1x512xf32>
    %add3A_73 = vector.broadcast %broadcast_in_dim3A_72 : vector<1x512xf32> to vector<2048x512xf32>
    %add3A_74 = arith.addf %dot_general3A_69, %add3A_73 : vector<2048x512xf32>
    %swap3A = arith.constant 0 : index
    %swap3A_75 = arith.constant 0 : index
    %swap3A_76 = vector.load %arg12[%swap3A, %swap3A_75] : memref<2048x512xf32, #tpu.memory_space<vmem>>, vector<2048x512xf32>
    tpu.vector_store %arg12[%swap3A, %swap3A_75], %add3A_74 {strides = array<i32>} : memref<2048x512xf32, #tpu.memory_space<vmem>>, vector<2048x512xf32>,
    return
  }
  func.func @transform_1(%arg0: i32) -> (i32, i32) {
    %c0_i32 = arith.constant 0 : i32
    %c0_i32_0 = arith.constant 0 : i32
    return %arg0, %c0_i32 : i32, i32
  }
  func.func @transform_2(%arg0: i32) -> (i32, i32) {
    %add3A = arith.constant 0 : i32
    %add3A_0 = arith.addi %add3A, %arg0 : i32
    %c0_i32 = arith.constant 0 : i32
    %c0_i32_1 = arith.constant 0 : i32
    return %add3A_0, %c0_i32 : i32, i32
  }
  func.func @transform_3(%arg0: i32) -> (i32, i32) {
    %c0_i32 = arith.constant 0 : i32
    %c0_i32_0 = arith.constant 0 : i32
    %c0_i32_1 = arith.constant 0 : i32
    return %c0_i32, %c0_i32_0 : i32, i32
  }
  func.func @transform_4(%arg0: i32) -> i32 {
    %c0_i32 = arith.constant 0 : i32
    %c0_i32_0 = arith.constant 0 : i32
    return %c0_i32 : i32
  }
  func.func @transform_5(%arg0: i32) -> (i32, i32) {
    %c0_i32 = arith.constant 0 : i32
    %c0_i32_0 = arith.constant 0 : i32
    %c0_i32_1 = arith.constant 0 : i32
    return %c0_i32, %c0_i32_0 : i32, i32
  }
  func.func @transform_6(%arg0: i32) -> i32 {
    %c0_i32 = arith.constant 0 : i32
    %c0_i32_0 = arith.constant 0 : i32
    return %c0_i32 : i32
  }
  func.func @transform_7(%arg0: i32) -> i32 {
    %c0_i32 = arith.constant 0 : i32
    %c0_i32_0 = arith.constant 0 : i32
    return %c0_i32 : i32
  }
  func.func @transform_8(%arg0: i32) -> i32 {
    %c0_i32 = arith.constant 0 : i32
    %c0_i32_0 = arith.constant 0 : i32
    return %c0_i32 : i32
  }
  func.func @transform_9(%arg0: i32) -> (i32, i32) {
    %c0_i32 = arith.constant 0 : i32
    %c0_i32_0 = arith.constant 0 : i32
    %c0_i32_1 = arith.constant 0 : i32
    return %c0_i32, %c0_i32_0 : i32, i32
  }
  func.func @transform_10(%arg0: i32) -> i32 {
    %c0_i32 = arith.constant 0 : i32
    %c0_i32_0 = arith.constant 0 : i32
    return %c0_i32 : i32
  }
  func.func @transform_11(%arg0: i32) -> (i32, i32) {
    %add3A = arith.constant 0 : i32
    %add3A_0 = arith.addi %add3A, %arg0 : i32
    %c0_i32 = arith.constant 0 : i32
    %c0_i32_1 = arith.constant 0 : i32
    return %add3A_0, %c0_i32 : i32, i32
  }
}

module attributes {stable_mosaic.version = 14 : i64} {
  func.func @_mlp_alias_body(%arg0: i32, %arg1: memref<16384x512xf32, #tpu.memory_space<any>>, %arg2: memref<2048x256xf32, #tpu.memory_space<vmem>>, %arg3: memref<2048x64xf32, #tpu.memory_space<vmem>>, %arg4: memref<64x256xf32, #tpu.memory_space<vmem>>, %arg5: memref<256xf32, #tpu.memory_space<vmem>>, %arg6: memref<512x512xf32, #tpu.memory_space<vmem>>, %arg7: memref<512xf32, #tpu.memory_space<vmem>>, %arg8: memref<512xf32, #tpu.memory_space<vmem>>, %arg9: memref<512xf32, #tpu.memory_space<vmem>>, %arg10: memref<512x512xf32, #tpu.memory_space<vmem>>, %arg11: memref<512xf32, #tpu.memory_space<vmem>>, %arg12: memref<2048x512xf32, #tpu.memory_space<vmem>>) attributes {dimension_semantics = [#tpu.dimension_semantics<arbitrary>], iteration_bounds = array<i64: 3>, scalar_prefetch = 0 : i64, scratch_operands = 0 : i64, tpu.core_type = #tpu.core_type<tc>, window_params = [{}, {transform_indices = @transform_1, window_bounds = array<i64: 2048, 256>}, {transform_indices = @transform_2, window_bounds = array<i64: 2048, 64>}, {pipeline_mode = #tpu.pipeline_mode<synchronous>, transform_indices = @transform_3, window_bounds = array<i64: 64, 256>}, {pipeline_mode = #tpu.pipeline_mode<synchronous>, transform_indices = @transform_4, window_bounds = array<i64: 256>}, {pipeline_mode = #tpu.pipeline_mode<synchronous>, transform_indices = @transform_5, window_bounds = array<i64: 512, 512>}, {pipeline_mode = #tpu.pipeline_mode<synchronous>, transform_indices = @transform_6, window_bounds = array<i64: 512>}, {pipeline_mode = #tpu.pipeline_mode<synchronous>, transform_indices = @transform_7, window_bounds = array<i64: 512>}, {pipeline_mode = #tpu.pipeline_mode<synchronous>, transform_indices = @transform_8, window_bounds = array<i64: 512>}, {pipeline_mode = #tpu.pipeline_mode<synchronous>, transform_indices = @transform_9, window_bounds = array<i64: 512, 512>}, {pipeline_mode = #tpu.pipeline_mode<synchronous>, transform_indices = @transform_10, window_bounds = array<i64: 512>}, {transform_indices = @transform_11, window_bounds = array<i64: 2048, 512>}]} {
    %get3A = arith.constant 0 : index
    %get3A_0 = arith.constant 0 : index
    %get3A_1 = vector.load %arg3[%get3A, %get3A_0] : memref<2048x64xf32, #tpu.memory_space<vmem>>, vector<2048x64xf32>
    %get3A_2 = arith.constant 0 : index
    %get3A_3 = arith.constant 0 : index
    %get3A_4 = vector.load %arg4[%get3A_2, %get3A_3] : memref<64x256xf32, #tpu.memory_space<vmem>>, vector<64x256xf32>
    %dot_general3A = arith.constant dense<0.000000e+00> : vector<2048x256xf32>
    %dot_general3A_5 = tpu.matmul %get3A_1, %get3A_4, %dot_general3A {dimension_numbers = #tpu.dot_dimension_numbers<[1], [0], [0], [1], [0, 0, 1, 1], [], []>, transpose_lhs_hint = false} : vector<2048x64xf32>, vector<64x256xf32>, vector<2048x256xf32> -> vector<2048x256xf32>
    %get3A_6 = arith.constant 0 : index
    %get3A_7 = vector.load %arg5[%get3A_6] : memref<256xf32, #tpu.memory_space<vmem>>, vector<256xf32>
    %broadcast_in_dim3A = vector.shape_cast %get3A_7 : vector<256xf32> to vector<1x256xf32>
    %add3A = vector.broadcast %broadcast_in_dim3A : vector<1x256xf32> to vector<2048x256xf32>
    %add3A_8 = arith.addf %dot_general3A_5, %add3A : vector<2048x256xf32>
    %get3A_9 = arith.constant 0 : index
    %get3A_10 = arith.constant 0 : index
    %get3A_11 = vector.load %arg2[%get3A_9, %get3A_10] : memref<2048x256xf32, #tpu.memory_space<vmem>>, vector<2048x256xf32>
    %get3A_12 = arith.constant 0 : index
    %get3A_13 = arith.constant 0 : index
    %get3A_14 = vector.load %arg6[%get3A_12, %get3A_13] : memref<512x512xf32, #tpu.memory_space<vmem>>, vector<256x512xf32>
    %dot_general3A_15 = arith.constant dense<0.000000e+00> : vector<2048x512xf32>
    %dot_general3A_16 = tpu.matmul %get3A_11, %get3A_14, %dot_general3A_15 {dimension_numbers = #tpu.dot_dimension_numbers<[1], [0], [0], [1], [0, 0, 1, 1], [], []>, transpose_lhs_hint = false} : vector<2048x256xf32>, vector<256x512xf32>, vector<2048x512xf32> -> vector<2048x512xf32>
    %get3A_17 = arith.constant 256 : index
    %get3A_18 = arith.constant 0 : index
    %get3A_19 = vector.load %arg6[%get3A_17, %get3A_18] : memref<512x512xf32, #tpu.memory_space<vmem>>, vector<256x512xf32>
    %dot_general3A_20 = arith.constant dense<0.000000e+00> : vector<2048x512xf32>
    %dot_general3A_21 = tpu.matmul %add3A_8, %get3A_19, %dot_general3A_20 {dimension_numbers = #tpu.dot_dimension_numbers<[1], [0], [0], [1], [0, 0, 1, 1], [], []>, transpose_lhs_hint = false} : vector<2048x256xf32>, vector<256x512xf32>, vector<2048x512xf32> -> vector<2048x512xf32>
    %add3A_22 = arith.addf %dot_general3A_16, %dot_general3A_21 : vector<2048x512xf32>
    %get3A_23 = arith.constant 0 : index
    %get3A_24 = vector.load %arg7[%get3A_23] : memref<512xf32, #tpu.memory_space<vmem>>, vector<512xf32>
    %broadcast_in_dim3A_25 = vector.shape_cast %get3A_24 : vector<512xf32> to vector<1x512xf32>
    %add3A_26 = vector.broadcast %broadcast_in_dim3A_25 : vector<1x512xf32> to vector<2048x512xf32>
    %add3A_27 = arith.addf %add3A_22, %add3A_26 : vector<2048x512xf32>
    %reduce_sum3A = arith.constant dense<0.000000e+00> : vector<2048xf32>
    %reduce_sum3A_28 = vector.multi_reduction <add>, %add3A_27, %reduce_sum3A [1] : vector<2048x512xf32> to vector<2048xf32>
    %broadcast_in_dim3A_29 = vector.shape_cast %reduce_sum3A_28 : vector<2048xf32> to vector<2048x1xf32>
    %div3A = arith.constant 5.120000e+02 : f32
    %div3A_30 = vector.broadcast %div3A : f32 to vector<2048x1xf32>
    %div3A_31 = arith.divf %broadcast_in_dim3A_29, %div3A_30 : vector<2048x1xf32>
    %sub3A = vector.broadcast %div3A_31 : vector<2048x1xf32> to vector<2048x512xf32>
    %sub3A_32 = arith.subf %add3A_27, %sub3A : vector<2048x512xf32>
    %square3A = arith.mulf %sub3A_32, %sub3A_32 : vector<2048x512xf32>
    %reduce_sum3A_33 = arith.constant dense<0.000000e+00> : vector<2048xf32>
    %reduce_sum3A_34 = vector.multi_reduction <add>, %square3A, %reduce_sum3A_33 [1] : vector<2048x512xf32> to vector<2048xf32>
    %broadcast_in_dim3A_35 = vector.shape_cast %reduce_sum3A_34 : vector<2048xf32> to vector<2048x1xf32>
    %div3A_36 = arith.constant 5.120000e+02 : f32
    %div3A_37 = vector.broadcast %div3A_36 : f32 to vector<2048x1xf32>
    %div3A_38 = arith.divf %broadcast_in_dim3A_35, %div3A_37 : vector<2048x1xf32>
    %sub3A_39 = vector.broadcast %div3A_31 : vector<2048x1xf32> to vector<2048x512xf32>
    %sub3A_40 = arith.subf %add3A_27, %sub3A_39 : vector<2048x512xf32>
    %add3A_41 = arith.constant 9.99999974E-6 : f32
    %add3A_42 = vector.broadcast %add3A_41 : f32 to vector<2048x1xf32>
    %add3A_43 = arith.addf %div3A_38, %add3A_42 : vector<2048x1xf32>
    %rsqrt3A = math.rsqrt %add3A_43 : vector<2048x1xf32>
    %mul3A = vector.broadcast %rsqrt3A : vector<2048x1xf32> to vector<2048x512xf32>
    %mul3A_44 = arith.mulf %sub3A_40, %mul3A : vector<2048x512xf32>
    %get3A_45 = arith.constant 0 : index
    %get3A_46 = vector.load %arg8[%get3A_45] : memref<512xf32, #tpu.memory_space<vmem>>, vector<512xf32>
    %broadcast_in_dim3A_47 = vector.shape_cast %get3A_46 : vector<512xf32> to vector<1x512xf32>
    %mul3A_48 = vector.broadcast %broadcast_in_dim3A_47 : vector<1x512xf32> to vector<2048x512xf32>
    %mul3A_49 = arith.mulf %mul3A_44, %mul3A_48 : vector<2048x512xf32>
    %get3A_50 = arith.constant 0 : index
    %get3A_51 = vector.load %arg9[%get3A_50] : memref<512xf32, #tpu.memory_space<vmem>>, vector<512xf32>
    %broadcast_in_dim3A_52 = vector.shape_cast %get3A_51 : vector<512xf32> to vector<1x512xf32>
    %add3A_53 = vector.broadcast %broadcast_in_dim3A_52 : vector<1x512xf32> to vector<2048x512xf32>
    %add3A_54 = arith.addf %mul3A_49, %add3A_53 : vector<2048x512xf32>
    %mul3A_55 = arith.constant 5.000000e-01 : f32
    %mul3A_56 = vector.broadcast %mul3A_55 : f32 to vector<2048x512xf32>
    %mul3A_57 = arith.mulf %mul3A_56, %add3A_54 : vector<2048x512xf32>
    %mul3A_58 = arith.constant 0.707106769 : f32
    %mul3A_59 = vector.broadcast %mul3A_58 : f32 to vector<2048x512xf32>
    %mul3A_60 = arith.mulf %add3A_54, %mul3A_59 : vector<2048x512xf32>
    %erf3A = math.erf %mul3A_60 : vector<2048x512xf32>
    %add3A_61 = arith.constant 1.000000e+00 : f32
    %add3A_62 = vector.broadcast %add3A_61 : f32 to vector<2048x512xf32>
    %add3A_63 = arith.addf %add3A_62, %erf3A : vector<2048x512xf32>
    %mul3A_64 = arith.mulf %mul3A_57, %add3A_63 : vector<2048x512xf32>
    %get3A_65 = arith.constant 0 : index
    %get3A_66 = arith.constant 0 : index
    %get3A_67 = vector.load %arg10[%get3A_65, %get3A_66] : memref<512x512xf32, #tpu.memory_space<vmem>>, vector<512x512xf32>
    %dot_general3A_68 = arith.constant dense<0.000000e+00> : vector<2048x512xf32>
    %dot_general3A_69 = tpu.matmul %mul3A_64, %get3A_67, %dot_general3A_68 {dimension_numbers = #tpu.dot_dimension_numbers<[1], [0], [0], [1], [0, 0, 1, 1], [], []>, transpose_lhs_hint = false} : vector<2048x512xf32>, vector<512x512xf32>, vector<2048x512xf32> -> vector<2048x512xf32>
    %get3A_70 = arith.constant 0 : index
    %get3A_71 = vector.load %arg11[%get3A_70] : memref<512xf32, #tpu.memory_space<vmem>>, vector<512xf32>
    %broadcast_in_dim3A_72 = vector.shape_cast %get3A_71 : vector<512xf32> to vector<1x512xf32>
    %add3A_73 = vector.broadcast %broadcast_in_dim3A_72 : vector<1x512xf32> to vector<2048x512xf32>
    %add3A_74 = arith.addf %dot_general3A_69, %add3A_73 : vector<2048x512xf32>
    %swap3A = arith.constant 0 : index
    %swap3A_75 = arith.constant 0 : index
    %swap3A_76 = vector.load %arg12[%swap3A, %swap3A_75] : memref<2048x512xf32, #tpu.memory_space<vmem>>, vector<2048x512xf32>
    tpu.vector_store %arg12[%swap3A, %swap3A_75], %add3A_74 {strides = array<i32>} : memref<2048x512xf32, #tpu.memory_space<vmem>>, vector<2048x512xf32>,
    return
  }
  func.func @transform_1(%arg0: i32) -> (i32, i32) {
    %c0_i32 = arith.constant 0 : i32
    %c0_i32_0 = arith.constant 0 : i32
    return %arg0, %c0_i32 : i32, i32
  }
  func.func @transform_2(%arg0: i32) -> (i32, i32) {
    %add3A = arith.constant 2 : i32
    %add3A_0 = arith.addi %add3A, %arg0 : i32
    %c0_i32 = arith.constant 0 : i32
    %c0_i32_1 = arith.constant 0 : i32
    return %add3A_0, %c0_i32 : i32, i32
  }
  func.func @transform_3(%arg0: i32) -> (i32, i32) {
    %c0_i32 = arith.constant 0 : i32
    %c0_i32_0 = arith.constant 0 : i32
    %c0_i32_1 = arith.constant 0 : i32
    return %c0_i32, %c0_i32_0 : i32, i32
  }
  func.func @transform_4(%arg0: i32) -> i32 {
    %c0_i32 = arith.constant 0 : i32
    %c0_i32_0 = arith.constant 0 : i32
    return %c0_i32 : i32
  }
  func.func @transform_5(%arg0: i32) -> (i32, i32) {
    %c0_i32 = arith.constant 0 : i32
    %c0_i32_0 = arith.constant 0 : i32
    %c0_i32_1 = arith.constant 0 : i32
    return %c0_i32, %c0_i32_0 : i32, i32
  }
  func.func @transform_6(%arg0: i32) -> i32 {
    %c0_i32 = arith.constant 0 : i32
    %c0_i32_0 = arith.constant 0 : i32
    return %c0_i32 : i32
  }
  func.func @transform_7(%arg0: i32) -> i32 {
    %c0_i32 = arith.constant 0 : i32
    %c0_i32_0 = arith.constant 0 : i32
    return %c0_i32 : i32
  }
  func.func @transform_8(%arg0: i32) -> i32 {
    %c0_i32 = arith.constant 0 : i32
    %c0_i32_0 = arith.constant 0 : i32
    return %c0_i32 : i32
  }
  func.func @transform_9(%arg0: i32) -> (i32, i32) {
    %c0_i32 = arith.constant 0 : i32
    %c0_i32_0 = arith.constant 0 : i32
    %c0_i32_1 = arith.constant 0 : i32
    return %c0_i32, %c0_i32_0 : i32, i32
  }
  func.func @transform_10(%arg0: i32) -> i32 {
    %c0_i32 = arith.constant 0 : i32
    %c0_i32_0 = arith.constant 0 : i32
    return %c0_i32 : i32
  }
  func.func @transform_11(%arg0: i32) -> (i32, i32) {
    %add3A = arith.constant 2 : i32
    %add3A_0 = arith.addi %add3A, %arg0 : i32
    %c0_i32 = arith.constant 0 : i32
    %c0_i32_1 = arith.constant 0 : i32
    return %add3A_0, %c0_i32 : i32, i32
  }
}

module attributes {stable_mosaic.version = 14 : i64} {
  func.func @_mlp_alias_body(%arg0: i32, %arg1: memref<16384x512xf32, #tpu.memory_space<any>>, %arg2: memref<2048x256xf32, #tpu.memory_space<vmem>>, %arg3: memref<2048x64xf32, #tpu.memory_space<vmem>>, %arg4: memref<64x256xf32, #tpu.memory_space<vmem>>, %arg5: memref<256xf32, #tpu.memory_space<vmem>>, %arg6: memref<512x512xf32, #tpu.memory_space<vmem>>, %arg7: memref<512xf32, #tpu.memory_space<vmem>>, %arg8: memref<512xf32, #tpu.memory_space<vmem>>, %arg9: memref<512xf32, #tpu.memory_space<vmem>>, %arg10: memref<512x512xf32, #tpu.memory_space<vmem>>, %arg11: memref<512xf32, #tpu.memory_space<vmem>>, %arg12: memref<2048x512xf32, #tpu.memory_space<vmem>>) attributes {dimension_semantics = [#tpu.dimension_semantics<arbitrary>], iteration_bounds = array<i64: 3>, scalar_prefetch = 0 : i64, scratch_operands = 0 : i64, tpu.core_type = #tpu.core_type<tc>, window_params = [{}, {transform_indices = @transform_1, window_bounds = array<i64: 2048, 256>}, {transform_indices = @transform_2, window_bounds = array<i64: 2048, 64>}, {pipeline_mode = #tpu.pipeline_mode<synchronous>, transform_indices = @transform_3, window_bounds = array<i64: 64, 256>}, {pipeline_mode = #tpu.pipeline_mode<synchronous>, transform_indices = @transform_4, window_bounds = array<i64: 256>}, {pipeline_mode = #tpu.pipeline_mode<synchronous>, transform_indices = @transform_5, window_bounds = array<i64: 512, 512>}, {pipeline_mode = #tpu.pipeline_mode<synchronous>, transform_indices = @transform_6, window_bounds = array<i64: 512>}, {pipeline_mode = #tpu.pipeline_mode<synchronous>, transform_indices = @transform_7, window_bounds = array<i64: 512>}, {pipeline_mode = #tpu.pipeline_mode<synchronous>, transform_indices = @transform_8, window_bounds = array<i64: 512>}, {pipeline_mode = #tpu.pipeline_mode<synchronous>, transform_indices = @transform_9, window_bounds = array<i64: 512, 512>}, {pipeline_mode = #tpu.pipeline_mode<synchronous>, transform_indices = @transform_10, window_bounds = array<i64: 512>}, {transform_indices = @transform_11, window_bounds = array<i64: 2048, 512>}]} {
    %get3A = arith.constant 0 : index
    %get3A_0 = arith.constant 0 : index
    %get3A_1 = vector.load %arg3[%get3A, %get3A_0] : memref<2048x64xf32, #tpu.memory_space<vmem>>, vector<2048x64xf32>
    %get3A_2 = arith.constant 0 : index
    %get3A_3 = arith.constant 0 : index
    %get3A_4 = vector.load %arg4[%get3A_2, %get3A_3] : memref<64x256xf32, #tpu.memory_space<vmem>>, vector<64x256xf32>
    %dot_general3A = arith.constant dense<0.000000e+00> : vector<2048x256xf32>
    %dot_general3A_5 = tpu.matmul %get3A_1, %get3A_4, %dot_general3A {dimension_numbers = #tpu.dot_dimension_numbers<[1], [0], [0], [1], [0, 0, 1, 1], [], []>, transpose_lhs_hint = false} : vector<2048x64xf32>, vector<64x256xf32>, vector<2048x256xf32> -> vector<2048x256xf32>
    %get3A_6 = arith.constant 0 : index
    %get3A_7 = vector.load %arg5[%get3A_6] : memref<256xf32, #tpu.memory_space<vmem>>, vector<256xf32>
    %broadcast_in_dim3A = vector.shape_cast %get3A_7 : vector<256xf32> to vector<1x256xf32>
    %add3A = vector.broadcast %broadcast_in_dim3A : vector<1x256xf32> to vector<2048x256xf32>
    %add3A_8 = arith.addf %dot_general3A_5, %add3A : vector<2048x256xf32>
    %get3A_9 = arith.constant 0 : index
    %get3A_10 = arith.constant 0 : index
    %get3A_11 = vector.load %arg2[%get3A_9, %get3A_10] : memref<2048x256xf32, #tpu.memory_space<vmem>>, vector<2048x256xf32>
    %get3A_12 = arith.constant 0 : index
    %get3A_13 = arith.constant 0 : index
    %get3A_14 = vector.load %arg6[%get3A_12, %get3A_13] : memref<512x512xf32, #tpu.memory_space<vmem>>, vector<256x512xf32>
    %dot_general3A_15 = arith.constant dense<0.000000e+00> : vector<2048x512xf32>
    %dot_general3A_16 = tpu.matmul %get3A_11, %get3A_14, %dot_general3A_15 {dimension_numbers = #tpu.dot_dimension_numbers<[1], [0], [0], [1], [0, 0, 1, 1], [], []>, transpose_lhs_hint = false} : vector<2048x256xf32>, vector<256x512xf32>, vector<2048x512xf32> -> vector<2048x512xf32>
    %get3A_17 = arith.constant 256 : index
    %get3A_18 = arith.constant 0 : index
    %get3A_19 = vector.load %arg6[%get3A_17, %get3A_18] : memref<512x512xf32, #tpu.memory_space<vmem>>, vector<256x512xf32>
    %dot_general3A_20 = arith.constant dense<0.000000e+00> : vector<2048x512xf32>
    %dot_general3A_21 = tpu.matmul %add3A_8, %get3A_19, %dot_general3A_20 {dimension_numbers = #tpu.dot_dimension_numbers<[1], [0], [0], [1], [0, 0, 1, 1], [], []>, transpose_lhs_hint = false} : vector<2048x256xf32>, vector<256x512xf32>, vector<2048x512xf32> -> vector<2048x512xf32>
    %add3A_22 = arith.addf %dot_general3A_16, %dot_general3A_21 : vector<2048x512xf32>
    %get3A_23 = arith.constant 0 : index
    %get3A_24 = vector.load %arg7[%get3A_23] : memref<512xf32, #tpu.memory_space<vmem>>, vector<512xf32>
    %broadcast_in_dim3A_25 = vector.shape_cast %get3A_24 : vector<512xf32> to vector<1x512xf32>
    %add3A_26 = vector.broadcast %broadcast_in_dim3A_25 : vector<1x512xf32> to vector<2048x512xf32>
    %add3A_27 = arith.addf %add3A_22, %add3A_26 : vector<2048x512xf32>
    %reduce_sum3A = arith.constant dense<0.000000e+00> : vector<2048xf32>
    %reduce_sum3A_28 = vector.multi_reduction <add>, %add3A_27, %reduce_sum3A [1] : vector<2048x512xf32> to vector<2048xf32>
    %broadcast_in_dim3A_29 = vector.shape_cast %reduce_sum3A_28 : vector<2048xf32> to vector<2048x1xf32>
    %div3A = arith.constant 5.120000e+02 : f32
    %div3A_30 = vector.broadcast %div3A : f32 to vector<2048x1xf32>
    %div3A_31 = arith.divf %broadcast_in_dim3A_29, %div3A_30 : vector<2048x1xf32>
    %sub3A = vector.broadcast %div3A_31 : vector<2048x1xf32> to vector<2048x512xf32>
    %sub3A_32 = arith.subf %add3A_27, %sub3A : vector<2048x512xf32>
    %square3A = arith.mulf %sub3A_32, %sub3A_32 : vector<2048x512xf32>
    %reduce_sum3A_33 = arith.constant dense<0.000000e+00> : vector<2048xf32>
    %reduce_sum3A_34 = vector.multi_reduction <add>, %square3A, %reduce_sum3A_33 [1] : vector<2048x512xf32> to vector<2048xf32>
    %broadcast_in_dim3A_35 = vector.shape_cast %reduce_sum3A_34 : vector<2048xf32> to vector<2048x1xf32>
    %div3A_36 = arith.constant 5.120000e+02 : f32
    %div3A_37 = vector.broadcast %div3A_36 : f32 to vector<2048x1xf32>
    %div3A_38 = arith.divf %broadcast_in_dim3A_35, %div3A_37 : vector<2048x1xf32>
    %sub3A_39 = vector.broadcast %div3A_31 : vector<2048x1xf32> to vector<2048x512xf32>
    %sub3A_40 = arith.subf %add3A_27, %sub3A_39 : vector<2048x512xf32>
    %add3A_41 = arith.constant 9.99999974E-6 : f32
    %add3A_42 = vector.broadcast %add3A_41 : f32 to vector<2048x1xf32>
    %add3A_43 = arith.addf %div3A_38, %add3A_42 : vector<2048x1xf32>
    %rsqrt3A = math.rsqrt %add3A_43 : vector<2048x1xf32>
    %mul3A = vector.broadcast %rsqrt3A : vector<2048x1xf32> to vector<2048x512xf32>
    %mul3A_44 = arith.mulf %sub3A_40, %mul3A : vector<2048x512xf32>
    %get3A_45 = arith.constant 0 : index
    %get3A_46 = vector.load %arg8[%get3A_45] : memref<512xf32, #tpu.memory_space<vmem>>, vector<512xf32>
    %broadcast_in_dim3A_47 = vector.shape_cast %get3A_46 : vector<512xf32> to vector<1x512xf32>
    %mul3A_48 = vector.broadcast %broadcast_in_dim3A_47 : vector<1x512xf32> to vector<2048x512xf32>
    %mul3A_49 = arith.mulf %mul3A_44, %mul3A_48 : vector<2048x512xf32>
    %get3A_50 = arith.constant 0 : index
    %get3A_51 = vector.load %arg9[%get3A_50] : memref<512xf32, #tpu.memory_space<vmem>>, vector<512xf32>
    %broadcast_in_dim3A_52 = vector.shape_cast %get3A_51 : vector<512xf32> to vector<1x512xf32>
    %add3A_53 = vector.broadcast %broadcast_in_dim3A_52 : vector<1x512xf32> to vector<2048x512xf32>
    %add3A_54 = arith.addf %mul3A_49, %add3A_53 : vector<2048x512xf32>
    %mul3A_55 = arith.constant 5.000000e-01 : f32
    %mul3A_56 = vector.broadcast %mul3A_55 : f32 to vector<2048x512xf32>
    %mul3A_57 = arith.mulf %mul3A_56, %add3A_54 : vector<2048x512xf32>
    %mul3A_58 = arith.constant 0.707106769 : f32
    %mul3A_59 = vector.broadcast %mul3A_58 : f32 to vector<2048x512xf32>
    %mul3A_60 = arith.mulf %add3A_54, %mul3A_59 : vector<2048x512xf32>
    %erf3A = math.erf %mul3A_60 : vector<2048x512xf32>
    %add3A_61 = arith.constant 1.000000e+00 : f32
    %add3A_62 = vector.broadcast %add3A_61 : f32 to vector<2048x512xf32>
    %add3A_63 = arith.addf %add3A_62, %erf3A : vector<2048x512xf32>
    %mul3A_64 = arith.mulf %mul3A_57, %add3A_63 : vector<2048x512xf32>
    %get3A_65 = arith.constant 0 : index
    %get3A_66 = arith.constant 0 : index
    %get3A_67 = vector.load %arg10[%get3A_65, %get3A_66] : memref<512x512xf32, #tpu.memory_space<vmem>>, vector<512x512xf32>
    %dot_general3A_68 = arith.constant dense<0.000000e+00> : vector<2048x512xf32>
    %dot_general3A_69 = tpu.matmul %mul3A_64, %get3A_67, %dot_general3A_68 {dimension_numbers = #tpu.dot_dimension_numbers<[1], [0], [0], [1], [0, 0, 1, 1], [], []>, transpose_lhs_hint = false} : vector<2048x512xf32>, vector<512x512xf32>, vector<2048x512xf32> -> vector<2048x512xf32>
    %get3A_70 = arith.constant 0 : index
    %get3A_71 = vector.load %arg11[%get3A_70] : memref<512xf32, #tpu.memory_space<vmem>>, vector<512xf32>
    %broadcast_in_dim3A_72 = vector.shape_cast %get3A_71 : vector<512xf32> to vector<1x512xf32>
    %add3A_73 = vector.broadcast %broadcast_in_dim3A_72 : vector<1x512xf32> to vector<2048x512xf32>
    %add3A_74 = arith.addf %dot_general3A_69, %add3A_73 : vector<2048x512xf32>
    %swap3A = arith.constant 0 : index
    %swap3A_75 = arith.constant 0 : index
    %swap3A_76 = vector.load %arg12[%swap3A, %swap3A_75] : memref<2048x512xf32, #tpu.memory_space<vmem>>, vector<2048x512xf32>
    tpu.vector_store %arg12[%swap3A, %swap3A_75], %add3A_74 {strides = array<i32>} : memref<2048x512xf32, #tpu.memory_space<vmem>>, vector<2048x512xf32>,
    return
  }
  func.func @transform_1(%arg0: i32) -> (i32, i32) {
    %c0_i32 = arith.constant 0 : i32
    %c0_i32_0 = arith.constant 0 : i32
    return %arg0, %c0_i32 : i32, i32
  }
  func.func @transform_2(%arg0: i32) -> (i32, i32) {
    %add3A = arith.constant 5 : i32
    %add3A_0 = arith.addi %add3A, %arg0 : i32
    %c0_i32 = arith.constant 0 : i32
    %c0_i32_1 = arith.constant 0 : i32
    return %add3A_0, %c0_i32 : i32, i32
  }
  func.func @transform_3(%arg0: i32) -> (i32, i32) {
    %c0_i32 = arith.constant 0 : i32
    %c0_i32_0 = arith.constant 0 : i32
    %c0_i32_1 = arith.constant 0 : i32
    return %c0_i32, %c0_i32_0 : i32, i32
  }
  func.func @transform_4(%arg0: i32) -> i32 {
    %c0_i32 = arith.constant 0 : i32
    %c0_i32_0 = arith.constant 0 : i32
    return %c0_i32 : i32
  }
  func.func @transform_5(%arg0: i32) -> (i32, i32) {
    %c0_i32 = arith.constant 0 : i32
    %c0_i32_0 = arith.constant 0 : i32
    %c0_i32_1 = arith.constant 0 : i32
    return %c0_i32, %c0_i32_0 : i32, i32
  }
  func.func @transform_6(%arg0: i32) -> i32 {
    %c0_i32 = arith.constant 0 : i32
    %c0_i32_0 = arith.constant 0 : i32
    return %c0_i32 : i32
  }
  func.func @transform_7(%arg0: i32) -> i32 {
    %c0_i32 = arith.constant 0 : i32
    %c0_i32_0 = arith.constant 0 : i32
    return %c0_i32 : i32
  }
  func.func @transform_8(%arg0: i32) -> i32 {
    %c0_i32 = arith.constant 0 : i32
    %c0_i32_0 = arith.constant 0 : i32
    return %c0_i32 : i32
  }
  func.func @transform_9(%arg0: i32) -> (i32, i32) {
    %c0_i32 = arith.constant 0 : i32
    %c0_i32_0 = arith.constant 0 : i32
    %c0_i32_1 = arith.constant 0 : i32
    return %c0_i32, %c0_i32_0 : i32, i32
  }
  func.func @transform_10(%arg0: i32) -> i32 {
    %c0_i32 = arith.constant 0 : i32
    %c0_i32_0 = arith.constant 0 : i32
    return %c0_i32 : i32
  }
  func.func @transform_11(%arg0: i32) -> (i32, i32) {
    %add3A = arith.constant 5 : i32
    %add3A_0 = arith.addi %add3A, %arg0 : i32
    %c0_i32 = arith.constant 0 : i32
    %c0_i32_1 = arith.constant 0 : i32
    return %add3A_0, %c0_i32 : i32, i32
  }
}

</mosaic_0001>

<sc_bundles>
// kernel: kernel.11.cloned.1.call-start
scs
__scs_entry_jumppad:
0x0: {  	(pc) =	sbr.rel $0x88, $3  }
0x1: {  	(tag) =	ssettag $0x0;
	lr =	simm.s32 $0x1  }
0x2: {  	[smem:$0x3F96] =	sst lr;
	_ =	strace $0xD0000000  }
0x3: {  	_ = 	snop  }
0x4: {  	_ = 	snop  }
0x5: {  	_ = 	snop  }
0x6: {  	_ = 	snop  }
0x7: {  	_ = 	snop  }
__scs_overlays_trampoline_lowered:
0x8: {  	[smem:$0x3FA5] =	sst s0  }
0x9: {  	[smem:$0x3FA6] =	sst s1  }
0xa: {  	[smem:$0x3FA7] =	sst s2  }
0xb: {  	[smem:$0x3FA8] =	sst s3  }
0xc: {  	[smem:$0x3FA9] =	sst s4  }
0xd: {  	[smem:$0x3FAA] =	sst s5  }
0xe: {  	[smem:$0x3FAB] =	sst s6  }
0xf: {  	[smem:$0x3FAC] =	sst s7  }
0x10: {  	[smem:$0x3FAD] =	sst s8  }
0x11: {  	[smem:$0x3FAE] =	sst s9;
	s0 =	simm.s32 @!p0 $0x0  }
0x12: {  	s1 =	sld [smem:$0x3F94];
	s0 =	simm.s32 @p0 $0x1  }
0x13: {  	[smem:$0x3FAF] =	sst s0;
	s0 =	simm.s32 @!p1 $0x0  }
0x14: {  	s2 =	sld [smem:$0x3F93];
	s0 =	simm.s32 @p1 $0x1  }
0x15: {  	[smem:$0x3FB0] =	sst s0;
	s0 =	simm.s32 @!p2 $0x0  }
0x16: {  	s3 =	sld [smem:$0x3FDB];
	s0 =	simm.s32 @p2 $0x1  }
0x17: {  	s4 =	simm.s32 $0x1BF5;
	[smem:$0x3FB2] =	sst s0  }
0x18: {  	s0 =	sld [smem:$0x3F95];
	_ =	swait.ge [sflag:s4], $0x0  }
0x19: {  	s7 =	sld [smem:$0x3F96]  }
0x1a: {  	s8 =	sadd.s32 $0xFFFFE003, lr  }
0x1b: {  	s9 =	sadd.s32 $0xFFFFFEF7, lr;
	s5 =	simm.s32 $0xFFFFFFFF;
	p2 =	slt.u32 s8, $0xFFFFF086  }
0x1c: {  	p1 =	slt.u32 s9, $0xF7A;
	s5 =	simm.s32 @!p2 $0x0  }
0x1d: {  	s5 =	simm.s32 @p1 $0x1;
	p0 =	seq.s32 s7, s2  }
0x1e: {  	s7 =	smul.u32 @!p0 $0xF7A, s2;
	p2 =	seq.s32 @!p0 s5, $0x0  }
0x1f: {  	s9 =	smul.u32 $0xF7A, s1;
	s8 =	simm.s32 @!p0 $0x1BF5;
	p2 =	por !p2, p0  }
0x20: {  	[sflag:s8] =	ssyncset.s32 @!p0 $0xFFFFF086;
	s6 =	sadd.s32 @!p0 s3, s7;
	s7 =	simm.s32 @!p0 $0x108  }
0x21: {  	s3 =	sadd.s32 s3, s9;
	s6 =	sadd.s32 @!p0 $0x88, s6;
	s7 =	simm.s32 @p2 $0x1082  }
0x22: {  	[simem:s7], [sflag:s8] =	dma.local @!p0 [hbm:s6], $0xF7A  }
0x23: {  	s9 =	sor.u32 $0xD0000000, s2;
	s6 =	simm.s32 $0x108;
	_ =	swait.ge @!p0 [sflag:s8], $0x0  }
0x24: {  	s3 =	sadd.s32 $0x88, s3;
	s6 =	simm.s32 @!p1 $0x1082;
	[sflag:s4] =	ssyncset.s32 $0xFFFFF086  }
0x25: {  	[simem:s6], [sflag:s4] =	dma.local [hbm:s3], $0xF7A  }
0x26: {  	[smem:$0x3F96] =	sst s1;
	(tag) =	ssettag s2;
	_ =	strace s9  }
0x27: {  	s1 =	sld [smem:$0x3FA6]  }
0x28: {  	s2 =	sld [smem:$0x3FA7]  }
0x29: {  	s4 =	sld [smem:$0x3FA9]  }
0x2a: {  	p0 =	seq.s32 s5, $0x0;
	s5 =	sld [smem:$0x3FAA]  }
0x2b: {  	s6 =	sld [smem:$0x3FAB]  }
0x2c: {  	s7 =	sld [smem:$0x3FAC]  }
0x2d: {  	s3 =	simm.s32 $0x108;
	s8 =	sld [smem:$0x3FAD]  }
0x2e: {  	s3 =	simm.s32 @!p0 $0x1082;
	s9 =	sld [smem:$0x3FAE]  }
0x2f: {  	lr =	sadd.s32 s0, s3;
	s0 =	sld [smem:$0x3FA5]  }
0x30: {  	s3 =	sld [smem:$0x3FA8]  }
0x31: {  	[smem:$0x3FB1] =	sst s10  }
0x32: {  	s10 =	sld [smem:$0x3FAF];
	_ =	sdelay $0x3  }
0x33: {  	p0 =	seq.s32 s10, $0x1;
	s10 =	sld [smem:$0x3FB1];
	_ =	sdelay $0x3  }
0x34: {  	[smem:$0x3FB1] =	sst s10  }
0x35: {  	s10 =	sld [smem:$0x3FB0];
	_ =	sdelay $0x3  }
0x36: {  	p1 =	seq.s32 s10, $0x1;
	s10 =	sld [smem:$0x3FB1];
	_ =	sdelay $0x3  }
0x37: {  	[smem:$0x3FB1] =	sst s10  }
0x38: {  	s10 =	sld [smem:$0x3FB2]  }
0x39: {  	_ = 	snop;
	(pc) =	sbr.ind lr, $3  }
0x3a: {  	_ = 	snop  }
0x3b: {  	_ = 	snop  }
0x3c: {  	p2 =	seq.s32 s10, $0x1;
	s10 =	sld [smem:$0x3FB1]  }
0x3d: {  	_ =	shalt  }
0x3e: {  	_ =	shalt  }
0x3f: {  	_ =	shalt  }
0x40: {  	_ =	shalt  }
0x41: {  	_ =	shalt  }
0x42: {  	_ =	shalt  }
0x43: {  	_ =	shalt  }
0x44: {  	_ =	shalt  }
0x45: {  	_ =	shalt  }
0x46: {  	_ =	shalt  }
0x47: {  	_ =	shalt  }
0x48: {  	_ =	shalt  }
0x49: {  	_ =	shalt  }
0x4a: {  	_ =	shalt  }
0x4b: {  	_ =	shalt  }
0x4c: {  	_ =	shalt  }
0x4d: {  	_ =	shalt  }
0x4e: {  	_ =	shalt  }
0x4f: {  	_ =	shalt  }
0x50: {  	_ =	shalt  }
0x51: {  	_ =	shalt  }
0x52: {  	_ =	shalt  }
0x53: {  	_ =	shalt  }
0x54: {  	_ =	shalt  }
0x55: {  	_ =	shalt  }
0x56: {  	_ =	shalt  }
0x57: {  	_ =	shalt  }
0x58: {  	_ =	shalt  }
0x59: {  	_ =	shalt  }
0x5a: {  	_ =	shalt  }
0x5b: {  	_ =	shalt  }
0x5c: {  	_ =	shalt  }
0x5d: {  	_ =	shalt  }
0x5e: {  	_ =	shalt  }
0x5f: {  	_ =	shalt  }
0x60: {  	_ =	shalt  }
0x61: {  	_ =	shalt  }
0x62: {  	_ =	shalt  }
0x63: {  	_ =	shalt  }
0x64: {  	_ =	shalt  }
0x65: {  	_ =	shalt  }
0x66: {  	_ =	shalt  }
0x67: {  	_ =	shalt  }
0x68: {  	_ =	shalt  }
0x69: {  	_ =	shalt  }
0x6a: {  	_ =	shalt  }
0x6b: {  	_ =	shalt  }
0x6c: {  	_ =	shalt  }
0x6d: {  	_ =	shalt  }
0x6e: {  	_ =	shalt  }
0x6f: {  	_ =	shalt  }
0x70: {  	_ =	shalt  }
0x71: {  	_ =	shalt  }
0x72: {  	_ =	shalt  }
0x73: {  	_ =	shalt  }
0x74: {  	_ =	shalt  }
0x75: {  	_ =	shalt  }
0x76: {  	_ =	shalt  }
0x77: {  	_ =	shalt  }
0x78: {  	_ =	shalt  }
0x79: {  	_ =	shalt  }
0x7a: {  	_ =	shalt  }
0x7b: {  	_ =	shalt  }
0x7c: {  	_ =	shalt  }
0x7d: {  	_ =	shalt  }
0x7e: {  	_ =	shalt  }
0x7f: {  	_ =	shalt  }
0x80: {  	_ =	shalt  }
0x81: {  	_ =	shalt  }
0x82: {  	_ =	shalt  }
0x83: {  	_ =	shalt  }
0x84: {  	_ =	shalt  }
0x85: {  	_ =	shalt  }
0x86: {  	_ =	shalt  }
0x87: {  	_ =	shalt  }
.Lfunc_end0:
.L_simem_size_0:
called_computation.1_lowered:
.L_overlay_start_0:
0x88: {  	s2 =	sld [smem:$0x3FD9]  }
0x89: {  	s3 =	sld [smem:$0x3FFE];
	_ =	sdelay $0x1  }
0x8a: {  	s1 =	srdreg.scid  }
0x8b: {  	s0 =	sand.u32 $0x1, s1  }
0x8c: {  	s17 =	sshll.u32 s0, $0xA;
	s2 =	sadd.s32 s3, s2  }
0x8d: {  	s2 =	sadd.s32 s2, s17  }
0x8e: {  	[smem:$0x3FBD] =	sst s2  }
0x8f: {  	_ = 	snop  }
0x90: {  	s18 =	sld [smem:$0x3FC9]  }
0x91: {  	s4 =	sld [smem:$0x3FC7];
	(tm) =	ssettm $0x1  }
0x92: {  	s19 =	sld [smem:$0x3FFB];
	_ =	sdelay $0x3  }
0x93: {  	_ =	strace s19  }
0x94: {  	s2 =	sld [smem:$0x3FFC];
	_ =	sdelay $0x3  }
0x95: {  	_ =	strace s2  }
0x96: {  	s2 =	sld [smem:$0x3FFD];
	_ =	sdelay $0x3  }
0x97: {  	_ =	strace s2  }
0x98: {  	_ =	strace $0x8FFFFFFF  }
0x99: {  	s20 =	sld [smem:$0x3FDB];
	_ =	sdelay $0x1  }
0x9a: {  	s5 =	simm.s32 $_scs_section_size  }
0x9b: {  	s6 =	simm.s32 $_size__tile_overlayer_lowered;
	s7 =	simm.s32 $_tile_overlayer_lowered  }
0x9c: {  	s8 =	simm.s32 $0x1BFF;
	s21 =	sshll.u32 s7, $0x1;
	s5 =	sadd.s32 s5, s20  }
0x9d: {  	s22 =	simm.s32 $0x0;
	s6 =	sshll.u32 s6, $0x1;
	s7 =	sadd.s32 s21, s5  }
0x9e: {  	[timem:s22], [sflag:s8] =	dma.local [hbm:s7], s6  }
0x9f: {  	_ =	swait.ge [sflag:s8], s6  }
0xa0: {  	s6 =	ssub.s32 $0x0, s6;
	[sflag:s8] =	ssyncset.done $0x0  }
0xa1: {  	[sflag:s8] =	ssyncadd.s32 s6;
	_ =	sdelay $0x1  }
0xa2: {  	s23 =	simm.s32 $0x1B8B  }
0xa3: {  	_ =	swait.ge [sflag:s23], $0x1  }
0xa4: {  	[sflag:s23] =	ssyncset.done $0x0  }
0xa5: {  	[sflag:s23] =	ssyncadd.s32 $0xFFFFFFFF  }
0xa6: {  	s6 =	sld [smem:$0x0]  }
0xa7: {  	s7 =	sand.u32 $0xFFFFFFFE, s1  }
0xa8: {  	p0 =	sne.s32 s1, s7  }
0xa9: {  	s7 =	sshll.u32 @p0 s7, $0xE  }
0xaa: {  	s7 =	sadd.s32 @p0 $0x11B8D, s7;
	s8 =	sshll.u32 @p0 s6, $0x11  }
0xab: {  	s7 =	sor.u32 @p0 s8, s7  }
0xac: {  	[sflag:s7] =	ssyncadd.remote.s32 @p0 $0x1;
	_ =	sdelay $0x1  }
0xad: {  	s7 =	simm.s32 @p0 $0x1B8D  }
0xae: {  	_ =	swait.eq @p0 [sflag:s7], $0x1  }
0xaf: {  	[sflag:s7] =	ssyncadd.s32 @p0 $0xFFFFFFFF  }
0xb0: {  	s8 =	sshll.u32 @!p0 s1, $0xE  }
0xb1: {  	s8 =	sor.u32 @!p0 $0x4000, s8;
	s7 =	simm.s32 @!p0 $0x1B8D  }
0xb2: {  	s6 =	sshll.u32 @!p0 s6, $0x11;
	s8 =	sadd.s32 @!p0 $0x11B8D, s8;
	_ =	swait.eq @!p0 [sflag:s7], $0x1  }
0xb3: {  	s6 =	sor.u32 @!p0 s6, s8;
	[sflag:s7] =	ssyncadd.s32 @!p0 $0xFFFFFFFF  }
0xb4: {  	s25 =	simm.s32 $0x1B8E;
	s24 =	sld [smem:$0x3FFE];
	[sflag:s6] =	ssyncadd.remote.s32 @!p0 $0x1  }
0xb5: {  	s26 =	simm.s32 $execute0_lowered;
	[smem:$0x3FD2] =	sst s25  }
0xb6: {  	s7 =	sshll.u32 s26, $0x1;
	_ =	strace $0x80000049;
	[dreg:$0x1] =	wrdreg $0xFFFFFFFF  }
0xb7: {  	s28 =	simm.s32 $_size_execute0_lowered;
	s5 =	sadd.s32 s5, s7;
	[dreg:$0x0] =	wrdreg $0x0  }
0xb8: {  	s7 =	sshll.u32 s28, $0x1;
	[dreg:$0x2] =	wrdreg s5  }
0xb9: {  	[dreg:$0x3] =	wrdreg s7  }
0xba: {  	[dreg:$0x4] =	wrdreg $0xC0  }
0xbb: {  	_ =	task [dreg:s22], $0x5FFFF  }
0xbc: {  	[dreg:$0x1] =	wrdreg $0xFFFFFFFF  }
0xbd: {  	[dreg:$0x0] =	wrdreg $0x60  }
0xbe: {  	[dreg:$0x2] =	wrdreg s18  }
0xbf: {  	[dreg:$0x3] =	wrdreg s4  }
0xc0: {  	[dreg:$0x4] =	wrdreg s24  }
0xc1: {  	[dreg:$0x5] =	wrdreg $0xA  }
0xc2: {  	_ =	task.clear_ibuf [dreg:s22], $0x6FFFF;
	_ =	strace $0x90000049  }
0xc3: {  	s29 =	simm.s32 $0xA;
	_ =	strace $0x8000004B  }
0xc4: {  	_ =	swait.ge [sflag:s29], $0x1  }
0xc5: {  	[sflag:s29] =	ssyncadd.s32 $0xFFFFFFFF  }
0xc6: {  	_ =	strace $0x9000004B  }
0xc7: {  	_ =	sfence  }
0xc8: {  	s30 =	sld [smem:$0x0];
	_ =	sdelay $0x2  }
0xc9: {  	s31 =	sshll.u32 s1, $0xD;
	s1 =	sshrl.u32 s1, $0x2  }
0xca: {  	s4 =	sand.u32 $0x4000, s31;
	s1 =	sadd.s32 s1, s30  }
0xcb: {  	s0 =	sor.u32 s4, s0;
	s1 =	sshll.u32 s1, $0x11  }
0xcc: {  	s0 =	sor.u32 s1, s0  }
0xcd: {  	s0 =	sadd.s32 $0x8F2B, s0  }
0xce: {  	[sflag:s0] =	ssyncadd.remote.s32 $0x1  }
0xcf: {  	_ =	sfence.sel $0xFFFF  }
0xd0: {  	[dreg:$0x0] =	wrdreg $0xFFFFFFFF;
	(pc) =	sbr.abs _section_cstart, $3  }
0xd1: {  	[dreg:$0x1] =	wrdreg $0xFFFFFFFF  }
0xd2: {  	_ =	task.clear_ibuf [dreg:s22], $0x2FFFF;
	_ =	strace $0x9FFFFFFF  }
0xd3: {  	(tm) =	ssettm $0x7FFFFFFF  }
tec
execute0_lowered:
.L_overlay_start_1:
0x0: {  	(tag) =	ssettag $0x1  }
0x1: {  	s1 =	rddreg [dreg:$0x0]  }
0x2: {  	s2 =	rddreg [dreg:$0x1];
	s3 =	srdreg.scid  }
0x3: {  	s0 =	stileid.u32;
	s4 =	rddreg [dreg:$0x2]  }
0x4: {  	s9 =	simm.s32 $0x1900;
	s10 =	simm.s32 $0x2100;
	s11 =	simm.s32 $0x2900  }
0x5: {  	s12 =	simm.s32 $0x3100;
	s13 =	simm.s32 $0x3900;
	s14 =	simm.s32 $0x4100  }
0x6: {  	s15 =	simm.s32 $0x4900;
	s16 =	simm.s32 $0x5100;
	s17 =	simm.s32 $0x5900  }
0x7: {  	s18 =	simm.s32 $0x6100;
	s19 =	simm.s32 $0x6900;
	s20 =	simm.s32 $0x7100  }
0x8: {  	s21 =	simm.s32 $0x7900;
	s22 =	simm.s32 $0x8100;
	s23 =	simm.s32 $0x8900  }
0x9: {  	s28 =	simm.s32 $0xA900;
	s5 =	sand.u32 $0x1, s3;
	s6 =	sshll.u32 s0, $0x1  }
0xa: {  	s29 =	simm.s32 $0xB100;
	s30 =	simm.s32 $0xB900;
	s6 =	sor.u32 s5, s6  }
0xb: {  	s31 =	simm.s32 $0x1;
	s3 =	simm.s32 $0x0;
	s7 =	smul.u32 $0xC0, s6  }
0xc: {  	s4 =	sadd.s32 $0x22800, s4;
	s5 =	ssub.s32 $0x2, s5;
	s8 =	smul.u32 $0xC000, s6  }
0xd: {  	[smem:$0x7FF] =	sst s3;
	s6 =	smul.u32 $0x1800, s6;
	s24 =	sshrl.u32 s5, $0x1  }
0xe: {  	_ =	strace $0x8000004A;
	s5 =	ssub.s32 s5, s24;
	s24 =	simm.s32 $0x9100  }
0xf: {  	s7 =	sshrl.u32 s7, $0x3;
	s8 =	sshrl.u32 s8, $0x3;
	s25 =	sadd.s32 s4, s6  }
0x10: {  	s6 =	simm.s32 $0x100;
	s1 =	sadd.s32 s1, s7;
	s4 =	sadd.s32 s4, s8  }
0x11: {  	[dreg:$0x5] =	wrdreg s25;
	s7 =	simm.s32 $0x900;
	s8 =	simm.s32 $0x1100  }
0x12: {  	v2 =	vlaneseq.u32;
	s25 =	simm.s32 $0x9900;
	s1 =	sadd.s32 $0x200, s1;
	s26 =	sadd.s32 $0x1000, s4  }
0x13: {  	vm0 =	vmmov $0xffff;
	v1 =	vshrl.u32 v2, $0x3;
	s4 =	smax.u32 s5, $0x1;
	s5 =	simm.s32 $0x3;
	[dreg:$0x4] =	wrdreg s1  }
0x14: {  	v0 =	vand.u32 $0x7, v2;
	v2 =	vor.u32 $0x8, v2;
	v1 =	vmul.u32 $0x8, v1;
	[dreg:$0x6] =	wrdreg s26;
	s26 =	simm.s32 $0xA100;
	s1 =	simm.s32 $0x2  }
.LBB2_1:
0x15: {  	s0 =	rddreg [dreg:$0x4]  }
0x16: {  	[tilespmem:s3], [sflag:$0x3] =	stream.linear.gather [hbm4b:s0+s3], $0xC0, $0x38;
	[tilespmem:$0x10100] =	vst v63  }
0x17: {  	_ =	swait.ge [sflag:s5], $0xC0  }
0x18: {  	[sflag:s5] =	ssyncset.done $0x0  }
0x19: {  	[sflag:s5] =	ssyncadd.s32 $0xFFFFFF40  }
0x1a: {  	v3 =	vld [tilespmem:$0x0]  }
0x1b: {  	v4 =	vld [tilespmem:$0x10]  }
0x1c: {  	v5 =	vld [tilespmem:$0x20]  }
0x1d: {  	v6 =	vld [tilespmem:$0x30];
	_ =	sdelay $0x1  }
0x1e: {  	v7 =	vld [tilespmem:$0x40]  }
0x1f: {  	v8 =	vld [tilespmem:$0x50];
	vm1 =	vgt.s32 v3, $0x0  }
0x20: {  	vm2 =	vgt.s32 v5, $0x0;
	v3 =	vnsel vm1, $0x0, v3;
	vm1 =	vgt.s32 v4, $0x0  }
0x21: {  	v9 =	vld [tilespmem:$0x60];
	v5 =	vnsel vm2, $0x0, v5;
	v4 =	vnsel vm1, $0x0, v4;
	vm1 =	vgt.s32 v6, $0x0  }
0x22: {  	v10 =	vld [tilespmem:$0x70];
	v3 =	vmin.u32 v3, $0xF42A3;
	v5 =	vmin.u32 v5, $0xF42A3;
	v6 =	vnsel vm1, $0x0, v6  }
0x23: {  	v11 =	vld [tilespmem:$0x80];
	vm1 =	vgt.s32 v7, $0x0;
	v4 =	vmin.u32 v4, $0xF42A3;
	v42 =	vshll.u32 v3, $0x1  }
0x24: {  	v12 =	vld [tilespmem:$0x90];
	[tilespmem:$0x0] =	vst v3;
	v3 =	vand.u32 $0x7, v3;
	v7 =	vnsel vm1, $0x0, v7;
	vm1 =	vgt.s32 v8, $0x0  }
0x25: {  	[tilespmem:$0x20] =	vst v5;
	v6 =	vmin.u32 v6, $0xF42A3;
	v8 =	vnsel vm1, $0x0, v8;
	v40 =	vmin.u32 v7, $0xF42A3  }
0x26: {  	v43 =	vld [tilespmem:$0xA0];
	[tilespmem:$0x10] =	vst v4;
	vm1 =	vgt.s32 v9, $0x0;
	v41 =	vmin.u32 v8, $0xF42A3;
	v8 =	vand.u32 $0x1FFFF0, v42  }
0x27: {  	v45 =	vld [tilespmem:$0xB0];
	[tilespmem:$0x30] =	vst v6;
	v44 =	vnsel vm1, $0x0, v9;
	vm1 =	vgt.s32 v10, $0x0;
	v3 =	vor.u32 v3, v8  }
0x28: {  	[tilespmem:$0x40] =	vst v40;
	v46 =	vmin.u32 v44, $0xF42A3;
	v47 =	vnsel vm1, $0x0, v10;
	vm1 =	vgt.s32 v11, $0x0  }
0x29: {  	[tilespmem:$0x50] =	vst v41;
	v48 =	vnsel vm1, $0x0, v11;
	vm1 =	vgt.s32 v12, $0x0;
	v49 =	vperm.xlane v3, v0  }
0x2a: {  	[tilespmem:$0x60] =	vst v46;
	v6 =	vmin.u32 v47, $0xF42A3;
	v3 =	vperm.xlane v3, v2;
	v50 =	vnsel vm1, $0x0, v12  }
0x2b: {  	v7 =	vmin.u32 v48, $0xF42A3;
	[tilespmem:$0x70] =	vst v6;
	vm1 =	vgt.s32 v43, $0x0;
	v51 =	vadd.s32 v1, v49  }
0x2c: {  	[tilespmem:$0x80] =	vst v7;
	v4 =	vmin.u32 v50, $0xF42A3;
	v5 =	vnsel vm1, $0x0, v43;
	vm1 =	vgt.s32 v45, $0x0  }
0x2d: {  	v3 =	vadd.s32 v1, v3;
	[tilespmem:$0x90] =	vst v4;
	v52 =	vnsel vm1, $0x0, v45;
	v5 =	vmin.u32 v5, $0xF42A3  }
0x2e: {  	[tilespmem:$0xA0] =	vst v5;
	v4 =	vmin.u32 v52, $0xF42A3  }
0x2f: {  	[tilespmem:$0xB0] =	vst v4  }
0x30: {  	[tilespmem:s6], [sflag:$0x1] =	stream.indirect_vreg.gather [hbm4b:s2+s3], $0x80, v51, vm0, $0xb8;
	[tilespmem:$0x10100] =	vst v63  }
0x31: {  	_ = 	snop  }
0x32: {  	[tilespmem:s7], [sflag:$0x1] =	stream.indirect_vreg.gather [hbm4b:s2+s3], $0x80, v3, vm0, $0xb8;
	[tilespmem:$0x10100] =	vst v63  }
0x33: {  	v3 =	vld [tilespmem:$0x10];
	_ =	sdelay $0x4  }
0x34: {  	v53 =	vshll.u32 v3, $0x1  }
0x35: {  	v3 =	vand.u32 $0x7, v3;
	v4 =	vand.u32 $0xFFFFFFF0, v53  }
0x36: {  	v3 =	vor.u32 v3, v4  }
0x37: {  	v4 =	vperm.xlane v3, v0;
	_ =	sdelay $0x1  }
0x38: {  	v3 =	vperm.xlane v3, v2;
	v4 =	vadd.s32 v1, v4;
	_ =	sdelay $0x1  }
0x39: {  	v3 =	vadd.s32 v1, v3;
	_ =	sdelay $0x2  }
0x3a: {  	[tilespmem:s8], [sflag:$0x1] =	stream.indirect_vreg.gather [hbm4b:s2+s3], $0x80, v4, vm0, $0xb8;
	[tilespmem:$0x10100] =	vst v63  }
0x3b: {  	_ = 	snop  }
0x3c: {  	[tilespmem:s9], [sflag:$0x1] =	stream.indirect_vreg.gather [hbm4b:s2+s3], $0x80, v3, vm0, $0xb8;
	[tilespmem:$0x10100] =	vst v63  }
0x3d: {  	v3 =	vld [tilespmem:$0x20];
	_ =	sdelay $0x4  }
0x3e: {  	v54 =	vshll.u32 v3, $0x1  }
0x3f: {  	v3 =	vand.u32 $0x7, v3;
	v4 =	vand.u32 $0xFFFFFFF0, v54  }
0x40: {  	v3 =	vor.u32 v3, v4  }
0x41: {  	v4 =	vperm.xlane v3, v0;
	_ =	sdelay $0x1  }
0x42: {  	v3 =	vperm.xlane v3, v2;
	v4 =	vadd.s32 v1, v4;
	_ =	sdelay $0x1  }
0x43: {  	v3 =	vadd.s32 v1, v3;
	_ =	sdelay $0x2  }
0x44: {  	[tilespmem:s10], [sflag:$0x1] =	stream.indirect_vreg.gather [hbm4b:s2+s3], $0x80, v4, vm0, $0xb8;
	[tilespmem:$0x10100] =	vst v63  }
0x45: {  	_ = 	snop  }
0x46: {  	[tilespmem:s11], [sflag:$0x1] =	stream.indirect_vreg.gather [hbm4b:s2+s3], $0x80, v3, vm0, $0xb8;
	[tilespmem:$0x10100] =	vst v63  }
0x47: {  	v3 =	vld [tilespmem:$0x30];
	_ =	sdelay $0x4  }
0x48: {  	v55 =	vshll.u32 v3, $0x1  }
0x49: {  	v3 =	vand.u32 $0x7, v3;
	v4 =	vand.u32 $0xFFFFFFF0, v55  }
0x4a: {  	v3 =	vor.u32 v3, v4  }
0x4b: {  	v4 =	vperm.xlane v3, v0;
	_ =	sdelay $0x1  }
0x4c: {  	v3 =	vperm.xlane v3, v2;
	v4 =	vadd.s32 v1, v4;
	_ =	sdelay $0x1  }
0x4d: {  	v3 =	vadd.s32 v1, v3;
	_ =	sdelay $0x2  }
0x4e: {  	[tilespmem:s12], [sflag:$0x1] =	stream.indirect_vreg.gather [hbm4b:s2+s3], $0x80, v4, vm0, $0xb8;
	[tilespmem:$0x10100] =	vst v63  }
0x4f: {  	_ = 	snop  }
0x50: {  	[tilespmem:s13], [sflag:$0x1] =	stream.indirect_vreg.gather [hbm4b:s2+s3], $0x80, v3, vm0, $0xb8;
	[tilespmem:$0x10100] =	vst v63  }
0x51: {  	v3 =	vld [tilespmem:$0x40];
	_ =	sdelay $0x4  }
0x52: {  	v56 =	vshll.u32 v3, $0x1  }
0x53: {  	v3 =	vand.u32 $0x7, v3;
	v4 =	vand.u32 $0xFFFFFFF0, v56  }
0x54: {  	v3 =	vor.u32 v3, v4  }
0x55: {  	v4 =	vperm.xlane v3, v0;
	_ =	sdelay $0x1  }
0x56: {  	v3 =	vperm.xlane v3, v2;
	v4 =	vadd.s32 v1, v4;
	_ =	sdelay $0x1  }
0x57: {  	v3 =	vadd.s32 v1, v3;
	_ =	sdelay $0x2  }
0x58: {  	[tilespmem:s14], [sflag:$0x1] =	stream.indirect_vreg.gather [hbm4b:s2+s3], $0x80, v4, vm0, $0xb8;
	[tilespmem:$0x10100] =	vst v63  }
0x59: {  	_ = 	snop  }
0x5a: {  	[tilespmem:s15], [sflag:$0x1] =	stream.indirect_vreg.gather [hbm4b:s2+s3], $0x80, v3, vm0, $0xb8;
	[tilespmem:$0x10100] =	vst v63  }
0x5b: {  	v3 =	vld [tilespmem:$0x50];
	_ =	sdelay $0x4  }
0x5c: {  	v57 =	vshll.u32 v3, $0x1  }
0x5d: {  	v3 =	vand.u32 $0x7, v3;
	v4 =	vand.u32 $0xFFFFFFF0, v57  }
0x5e: {  	v3 =	vor.u32 v3, v4  }
0x5f: {  	v4 =	vperm.xlane v3, v0;
	_ =	sdelay $0x1  }
0x60: {  	v3 =	vperm.xlane v3, v2;
	v4 =	vadd.s32 v1, v4;
	_ =	sdelay $0x1  }
0x61: {  	v3 =	vadd.s32 v1, v3;
	_ =	sdelay $0x2  }
0x62: {  	[tilespmem:s16], [sflag:$0x1] =	stream.indirect_vreg.gather [hbm4b:s2+s3], $0x80, v4, vm0, $0xb8;
	[tilespmem:$0x10100] =	vst v63  }
0x63: {  	_ = 	snop  }
0x64: {  	[tilespmem:s17], [sflag:$0x1] =	stream.indirect_vreg.gather [hbm4b:s2+s3], $0x80, v3, vm0, $0xb8;
	[tilespmem:$0x10100] =	vst v63  }
0x65: {  	v3 =	vld [tilespmem:$0x60];
	_ =	sdelay $0x4  }
0x66: {  	v58 =	vshll.u32 v3, $0x1  }
0x67: {  	v3 =	vand.u32 $0x7, v3;
	v4 =	vand.u32 $0xFFFFFFF0, v58  }
0x68: {  	v3 =	vor.u32 v3, v4  }
0x69: {  	v4 =	vperm.xlane v3, v0;
	_ =	sdelay $0x1  }
0x6a: {  	v3 =	vperm.xlane v3, v2;
	v4 =	vadd.s32 v1, v4;
	_ =	sdelay $0x1  }
0x6b: {  	v3 =	vadd.s32 v1, v3;
	_ =	sdelay $0x2  }
0x6c: {  	[tilespmem:s18], [sflag:$0x1] =	stream.indirect_vreg.gather [hbm4b:s2+s3], $0x80, v4, vm0, $0xb8;
	[tilespmem:$0x10100] =	vst v63  }
0x6d: {  	_ = 	snop  }
0x6e: {  	[tilespmem:s19], [sflag:$0x1] =	stream.indirect_vreg.gather [hbm4b:s2+s3], $0x80, v3, vm0, $0xb8;
	[tilespmem:$0x10100] =	vst v63  }
0x6f: {  	v3 =	vld [tilespmem:$0x70];
	_ =	sdelay $0x4  }
0x70: {  	v59 =	vshll.u32 v3, $0x1  }
0x71: {  	v3 =	vand.u32 $0x7, v3;
	v4 =	vand.u32 $0xFFFFFFF0, v59  }
0x72: {  	v3 =	vor.u32 v3, v4  }
0x73: {  	v4 =	vperm.xlane v3, v0;
	_ =	sdelay $0x1  }
0x74: {  	v3 =	vperm.xlane v3, v2;
	v4 =	vadd.s32 v1, v4;
	_ =	sdelay $0x1  }
0x75: {  	v3 =	vadd.s32 v1, v3;
	_ =	sdelay $0x2  }
0x76: {  	[tilespmem:s20], [sflag:$0x1] =	stream.indirect_vreg.gather [hbm4b:s2+s3], $0x80, v4, vm0, $0xb8;
	[tilespmem:$0x10100] =	vst v63  }
0x77: {  	_ = 	snop  }
0x78: {  	[tilespmem:s21], [sflag:$0x1] =	stream.indirect_vreg.gather [hbm4b:s2+s3], $0x80, v3, vm0, $0xb8;
	[tilespmem:$0x10100] =	vst v63  }
0x79: {  	v3 =	vld [tilespmem:$0x80];
	_ =	sdelay $0x4  }
0x7a: {  	v60 =	vshll.u32 v3, $0x1  }
0x7b: {  	v3 =	vand.u32 $0x7, v3;
	v4 =	vand.u32 $0xFFFFFFF0, v60  }
0x7c: {  	v3 =	vor.u32 v3, v4  }
0x7d: {  	v4 =	vperm.xlane v3, v0;
	_ =	sdelay $0x1  }
0x7e: {  	v3 =	vperm.xlane v3, v2;
	v4 =	vadd.s32 v1, v4;
	_ =	sdelay $0x1  }
0x7f: {  	v3 =	vadd.s32 v1, v3;
	_ =	sdelay $0x2  }
0x80: {  	[tilespmem:s22], [sflag:$0x2] =	stream.indirect_vreg.gather [hbm4b:s2+s3], $0x80, v4, vm0, $0xb8;
	[tilespmem:$0x10100] =	vst v63  }
0x81: {  	_ = 	snop  }
0x82: {  	[tilespmem:s23], [sflag:$0x2] =	stream.indirect_vreg.gather [hbm4b:s2+s3], $0x80, v3, vm0, $0xb8;
	[tilespmem:$0x10100] =	vst v63  }
0x83: {  	v3 =	vld [tilespmem:$0x90];
	_ =	sdelay $0x4  }
0x84: {  	v61 =	vshll.u32 v3, $0x1  }
0x85: {  	v3 =	vand.u32 $0x7, v3;
	v4 =	vand.u32 $0xFFFFFFF0, v61  }
0x86: {  	v3 =	vor.u32 v3, v4  }
0x87: {  	v4 =	vperm.xlane v3, v0;
	_ =	sdelay $0x1  }
0x88: {  	v3 =	vperm.xlane v3, v2;
	v4 =	vadd.s32 v1, v4;
	_ =	sdelay $0x1  }
0x89: {  	v3 =	vadd.s32 v1, v3;
	_ =	sdelay $0x2  }
0x8a: {  	[tilespmem:s24], [sflag:$0x2] =	stream.indirect_vreg.gather [hbm4b:s2+s3], $0x80, v4, vm0, $0xb8;
	[tilespmem:$0x10100] =	vst v63  }
0x8b: {  	_ = 	snop  }
0x8c: {  	[tilespmem:s25], [sflag:$0x2] =	stream.indirect_vreg.gather [hbm4b:s2+s3], $0x80, v3, vm0, $0xb8;
	[tilespmem:$0x10100] =	vst v63  }
0x8d: {  	v3 =	vld [tilespmem:$0xA0];
	_ =	sdelay $0x4  }
0x8e: {  	v62 =	vshll.u32 v3, $0x1  }
0x8f: {  	v3 =	vand.u32 $0x7, v3;
	v4 =	vand.u32 $0xFFFFFFF0, v62  }
0x90: {  	v3 =	vor.u32 v3, v4  }
0x91: {  	v4 =	vperm.xlane v3, v0;
	_ =	sdelay $0x1  }
0x92: {  	v3 =	vperm.xlane v3, v2;
	v4 =	vadd.s32 v1, v4;
	_ =	sdelay $0x1  }
0x93: {  	v3 =	vadd.s32 v1, v3;
	_ =	sdelay $0x2  }
0x94: {  	[tilespmem:s26], [sflag:$0x2] =	stream.indirect_vreg.gather [hbm4b:s2+s3], $0x80, v4, vm0, $0xb8;
	[tilespmem:$0x10100] =	vst v63  }
0x95: {  	_ = 	snop  }
0x96: {  	[tilespmem:s28], [sflag:$0x2] =	stream.indirect_vreg.gather [hbm4b:s2+s3], $0x80, v3, vm0, $0xb8;
	[tilespmem:$0x10100] =	vst v63  }
0x97: {  	v3 =	vld [tilespmem:$0xB0];
	_ =	sdelay $0x4  }
0x98: {  	v63 =	vshll.u32 v3, $0x1  }
0x99: {  	v3 =	vand.u32 $0x7, v3;
	v4 =	vand.u32 $0xFFFFFFF0, v63  }
0x9a: {  	v3 =	vor.u32 v3, v4  }
0x9b: {  	v4 =	vperm.xlane v3, v0;
	_ =	sdelay $0x1  }
0x9c: {  	v3 =	vperm.xlane v3, v2;
	v4 =	vadd.s32 v1, v4;
	_ =	sdelay $0x1  }
0x9d: {  	v3 =	vadd.s32 v1, v3;
	_ =	sdelay $0x2  }
0x9e: {  	[tilespmem:s29], [sflag:$0x2] =	stream.indirect_vreg.gather [hbm4b:s2+s3], $0x80, v4, vm0, $0xb8;
	[tilespmem:$0x10100] =	vst v63  }
0x9f: {  	_ = 	snop  }
0xa0: {  	[tilespmem:s30], [sflag:$0x2] =	stream.indirect_vreg.gather [hbm4b:s2+s3], $0x80, v3, vm0, $0xb8;
	[tilespmem:$0x10100] =	vst v63  }
0xa1: {  	_ =	swait.ge [sflag:s31], $0x8000  }
0xa2: {  	[sflag:s31] =	ssyncset.done $0x0  }
0xa3: {  	s0 =	rddreg [dreg:$0x5];
	[sflag:s31] =	ssyncadd.s32 $0xFFFF8000  }
0xa4: {  	[hbm4b:s0+s3] =	stream.linear.scatter [tilespmem:s6], [sflag:$0x3], $0x8000, $0x38;
	[tilespmem:$0x10100] =	vst v63  }
0xa5: {  	_ =	swait.ge [sflag:s5], $0x8000  }
0xa6: {  	[sflag:s5] =	ssyncset.done $0x0  }
0xa7: {  	[sflag:s5] =	ssyncadd.s32 $0xFFFF8000  }
0xa8: {  	_ =	swait.ge [sflag:s1], $0x4000  }
0xa9: {  	p0 =	sne.s32 s4, $0x1;
	[sflag:s1] =	ssyncset.done $0x0  }
.Ltmp0:
0xaa: {  	s0 =	rddreg [dreg:$0x6];
	[sflag:s1] =	ssyncadd.s32 $0xFFFFC000;
	(pc) =	sbr.rel @p0 .LBB2_1-.Ltmp0, $4  }
0xab: {  	[hbm4b:s0+s3] =	stream.linear.scatter [tilespmem:s22], [sflag:$0x3], $0x4000, $0x38;
	[tilespmem:$0x10100] =	vst v63  }
0xac: {  	_ =	swait.ge [sflag:s5], $0x4000  }
0xad: {  	[sflag:s5] =	ssyncset.done $0x0  }
0xae: {  	s4 =	sadd.s32 $0xFFFFFFFF, s4;
	[sflag:s5] =	ssyncadd.s32 $0xFFFFC000  }
0xaf: {  	_ =	sfence.sel $0x180000  }
0xb0: {  	[bflag:$0x0] =	sbarrier.arrive $0xFFFF  }
0xb1: {  	_ =	strace $0x9000004A  }
0xb2: {  	s0 =	stileid.u32;
	[bflag:$0x2] =	sbarrier.arrive $0xFFFF  }
0xb3: {  	p0 =	sne.s32 s0, $0x0;
	s0 =	rddreg [dreg:$0x3]  }
0xb4: {  	s0 =	sadd.s32 @!p0 $0x100000, s0  }
0xb5: {  	[sflag:s0] =	ssyncadd.tile.s32 @!p0 $0x1;
	_ =	shalt  }
.Lfunc_end2:
_tile_overlayer_lowered:
.L_overlay_start_2:
0xb6: {  	(tag) =	ssettag $0x2  }
0xb7: {  	s0 =	rddreg [dreg:$0x0];
	s2 =	stileid.u32  }
0xb8: {  	s1 =	rddreg [dreg:$0x1];
	p0 =	sne.s32 s2, $0x0  }
0xb9: {  	s3 =	rddreg [dreg:$0x2];
	[bflag:$0x3] =	sbarrier.arrive $0xFFFF;
	s2 =	simm.s32 @!p0 $0x1C03  }
0xba: {  	[timem:s3], [sflag:s2] =	dma.local @!p0 [hbm:s0], s1  }
0xbb: {  	s0 =	simm.s32 @!p0 $0x3  }
0xbc: {  	_ =	swait.ge @!p0 [sflag:s0], s1  }
0xbd: {  	s1 =	ssub.s32 @!p0 $0x0, s1;
	[sflag:s0] =	ssyncset.done @!p0 $0x0  }
0xbe: {  	[sflag:s0] =	ssyncadd.s32 @!p0 s1  }
0xbf: {  	[bflag:$0x3] =	sbarrier.arrive $0xFFFF  }
0xc0: {  	_ =	shalt  }

// kernel: kernel.14.cloned.1.call-start
scs
__scs_entry_jumppad:
0x0: {  	(pc) =	sbr.rel $0x88, $3  }
0x1: {  	(tag) =	ssettag $0x0;
	lr =	simm.s32 $0x1  }
0x2: {  	[smem:$0x3F96] =	sst lr;
	_ =	strace $0xD0000000  }
0x3: {  	_ = 	snop  }
0x4: {  	_ = 	snop  }
0x5: {  	_ = 	snop  }
0x6: {  	_ = 	snop  }
0x7: {  	_ = 	snop  }
__scs_overlays_trampoline_lowered:
0x8: {  	[smem:$0x3FA5] =	sst s0  }
0x9: {  	[smem:$0x3FA6] =	sst s1  }
0xa: {  	[smem:$0x3FA7] =	sst s2  }
0xb: {  	[smem:$0x3FA8] =	sst s3  }
0xc: {  	[smem:$0x3FA9] =	sst s4  }
0xd: {  	[smem:$0x3FAA] =	sst s5  }
0xe: {  	[smem:$0x3FAB] =	sst s6  }
0xf: {  	[smem:$0x3FAC] =	sst s7  }
0x10: {  	[smem:$0x3FAD] =	sst s8  }
0x11: {  	[smem:$0x3FAE] =	sst s9;
	s0 =	simm.s32 @!p0 $0x0  }
0x12: {  	s1 =	sld [smem:$0x3F94];
	s0 =	simm.s32 @p0 $0x1  }
0x13: {  	[smem:$0x3FAF] =	sst s0;
	s0 =	simm.s32 @!p1 $0x0  }
0x14: {  	s2 =	sld [smem:$0x3F93];
	s0 =	simm.s32 @p1 $0x1  }
0x15: {  	[smem:$0x3FB0] =	sst s0;
	s0 =	simm.s32 @!p2 $0x0  }
0x16: {  	s3 =	sld [smem:$0x3FDB];
	s0 =	simm.s32 @p2 $0x1  }
0x17: {  	s4 =	simm.s32 $0x1BF5;
	[smem:$0x3FB2] =	sst s0  }
0x18: {  	s0 =	sld [smem:$0x3F95];
	_ =	swait.ge [sflag:s4], $0x0  }
0x19: {  	s7 =	sld [smem:$0x3F96]  }
0x1a: {  	s8 =	sadd.s32 $0xFFFFE003, lr  }
0x1b: {  	s9 =	sadd.s32 $0xFFFFFEF7, lr;
	s5 =	simm.s32 $0xFFFFFFFF;
	p2 =	slt.u32 s8, $0xFFFFF086  }
0x1c: {  	p1 =	slt.u32 s9, $0xF7A;
	s5 =	simm.s32 @!p2 $0x0  }
0x1d: {  	s5 =	simm.s32 @p1 $0x1;
	p0 =	seq.s32 s7, s2  }
0x1e: {  	s7 =	smul.u32 @!p0 $0xF7A, s2;
	p2 =	seq.s32 @!p0 s5, $0x0  }
0x1f: {  	s9 =	smul.u32 $0xF7A, s1;
	s8 =	simm.s32 @!p0 $0x1BF5;
	p2 =	por !p2, p0  }
0x20: {  	[sflag:s8] =	ssyncset.s32 @!p0 $0xFFFFF086;
	s6 =	sadd.s32 @!p0 s3, s7;
	s7 =	simm.s32 @!p0 $0x108  }
0x21: {  	s3 =	sadd.s32 s3, s9;
	s6 =	sadd.s32 @!p0 $0x88, s6;
	s7 =	simm.s32 @p2 $0x1082  }
0x22: {  	[simem:s7], [sflag:s8] =	dma.local @!p0 [hbm:s6], $0xF7A  }
0x23: {  	s9 =	sor.u32 $0xD0000000, s2;
	s6 =	simm.s32 $0x108;
	_ =	swait.ge @!p0 [sflag:s8], $0x0  }
0x24: {  	s3 =	sadd.s32 $0x88, s3;
	s6 =	simm.s32 @!p1 $0x1082;
	[sflag:s4] =	ssyncset.s32 $0xFFFFF086  }
0x25: {  	[simem:s6], [sflag:s4] =	dma.local [hbm:s3], $0xF7A  }
0x26: {  	[smem:$0x3F96] =	sst s1;
	(tag) =	ssettag s2;
	_ =	strace s9  }
0x27: {  	s1 =	sld [smem:$0x3FA6]  }
0x28: {  	s2 =	sld [smem:$0x3FA7]  }
0x29: {  	s4 =	sld [smem:$0x3FA9]  }
0x2a: {  	p0 =	seq.s32 s5, $0x0;
	s5 =	sld [smem:$0x3FAA]  }
0x2b: {  	s6 =	sld [smem:$0x3FAB]  }
0x2c: {  	s7 =	sld [smem:$0x3FAC]  }
0x2d: {  	s3 =	simm.s32 $0x108;
	s8 =	sld [smem:$0x3FAD]  }
0x2e: {  	s3 =	simm.s32 @!p0 $0x1082;
	s9 =	sld [smem:$0x3FAE]  }
0x2f: {  	lr =	sadd.s32 s0, s3;
	s0 =	sld [smem:$0x3FA5]  }
0x30: {  	s3 =	sld [smem:$0x3FA8]  }
0x31: {  	[smem:$0x3FB1] =	sst s10  }
0x32: {  	s10 =	sld [smem:$0x3FAF];
	_ =	sdelay $0x3  }
0x33: {  	p0 =	seq.s32 s10, $0x1;
	s10 =	sld [smem:$0x3FB1];
	_ =	sdelay $0x3  }
0x34: {  	[smem:$0x3FB1] =	sst s10  }
0x35: {  	s10 =	sld [smem:$0x3FB0];
	_ =	sdelay $0x3  }
0x36: {  	p1 =	seq.s32 s10, $0x1;
	s10 =	sld [smem:$0x3FB1];
	_ =	sdelay $0x3  }
0x37: {  	[smem:$0x3FB1] =	sst s10  }
0x38: {  	s10 =	sld [smem:$0x3FB2]  }
0x39: {  	_ = 	snop;
	(pc) =	sbr.ind lr, $3  }
0x3a: {  	_ = 	snop  }
0x3b: {  	_ = 	snop  }
0x3c: {  	p2 =	seq.s32 s10, $0x1;
	s10 =	sld [smem:$0x3FB1]  }
0x3d: {  	_ =	shalt  }
0x3e: {  	_ =	shalt  }
0x3f: {  	_ =	shalt  }
0x40: {  	_ =	shalt  }
0x41: {  	_ =	shalt  }
0x42: {  	_ =	shalt  }
0x43: {  	_ =	shalt  }
0x44: {  	_ =	shalt  }
0x45: {  	_ =	shalt  }
0x46: {  	_ =	shalt  }
0x47: {  	_ =	shalt  }
0x48: {  	_ =	shalt  }
0x49: {  	_ =	shalt  }
0x4a: {  	_ =	shalt  }
0x4b: {  	_ =	shalt  }
0x4c: {  	_ =	shalt  }
0x4d: {  	_ =	shalt  }
0x4e: {  	_ =	shalt  }
0x4f: {  	_ =	shalt  }
0x50: {  	_ =	shalt  }
0x51: {  	_ =	shalt  }
0x52: {  	_ =	shalt  }
0x53: {  	_ =	shalt  }
0x54: {  	_ =	shalt  }
0x55: {  	_ =	shalt  }
0x56: {  	_ =	shalt  }
0x57: {  	_ =	shalt  }
0x58: {  	_ =	shalt  }
0x59: {  	_ =	shalt  }
0x5a: {  	_ =	shalt  }
0x5b: {  	_ =	shalt  }
0x5c: {  	_ =	shalt  }
0x5d: {  	_ =	shalt  }
0x5e: {  	_ =	shalt  }
0x5f: {  	_ =	shalt  }
0x60: {  	_ =	shalt  }
0x61: {  	_ =	shalt  }
0x62: {  	_ =	shalt  }
0x63: {  	_ =	shalt  }
0x64: {  	_ =	shalt  }
0x65: {  	_ =	shalt  }
0x66: {  	_ =	shalt  }
0x67: {  	_ =	shalt  }
0x68: {  	_ =	shalt  }
0x69: {  	_ =	shalt  }
0x6a: {  	_ =	shalt  }
0x6b: {  	_ =	shalt  }
0x6c: {  	_ =	shalt  }
0x6d: {  	_ =	shalt  }
0x6e: {  	_ =	shalt  }
0x6f: {  	_ =	shalt  }
0x70: {  	_ =	shalt  }
0x71: {  	_ =	shalt  }
0x72: {  	_ =	shalt  }
0x73: {  	_ =	shalt  }
0x74: {  	_ =	shalt  }
0x75: {  	_ =	shalt  }
0x76: {  	_ =	shalt  }
0x77: {  	_ =	shalt  }
0x78: {  	_ =	shalt  }
0x79: {  	_ =	shalt  }
0x7a: {  	_ =	shalt  }
0x7b: {  	_ =	shalt  }
0x7c: {  	_ =	shalt  }
0x7d: {  	_ =	shalt  }
0x7e: {  	_ =	shalt  }
0x7f: {  	_ =	shalt  }
0x80: {  	_ =	shalt  }
0x81: {  	_ =	shalt  }
0x82: {  	_ =	shalt  }
0x83: {  	_ =	shalt  }
0x84: {  	_ =	shalt  }
0x85: {  	_ =	shalt  }
0x86: {  	_ =	shalt  }
0x87: {  	_ =	shalt  }
.Lfunc_end0:
.L_simem_size_0:
called_computation.2_lowered:
.L_overlay_start_0:
0x88: {  	s2 =	sld [smem:$0x3FD9]  }
0x89: {  	s3 =	sld [smem:$0x3FFE];
	_ =	sdelay $0x1  }
0x8a: {  	s1 =	srdreg.scid  }
0x8b: {  	s0 =	sand.u32 $0x1, s1  }
0x8c: {  	s17 =	sshll.u32 s0, $0xA;
	s2 =	sadd.s32 s3, s2  }
0x8d: {  	s2 =	sadd.s32 s2, s17  }
0x8e: {  	[smem:$0x3FBD] =	sst s2  }
0x8f: {  	_ = 	snop  }
0x90: {  	s18 =	sld [smem:$0x3FC9]  }
0x91: {  	s4 =	sld [smem:$0x3FC7];
	(tm) =	ssettm $0x1  }
0x92: {  	s19 =	sld [smem:$0x3FFB];
	_ =	sdelay $0x3  }
0x93: {  	_ =	strace s19  }
0x94: {  	s2 =	sld [smem:$0x3FFC];
	_ =	sdelay $0x3  }
0x95: {  	_ =	strace s2  }
0x96: {  	s2 =	sld [smem:$0x3FFD];
	_ =	sdelay $0x3  }
0x97: {  	_ =	strace s2  }
0x98: {  	_ =	strace $0x8FFFFFFF  }
0x99: {  	s20 =	sld [smem:$0x3FDB];
	_ =	sdelay $0x1  }
0x9a: {  	s5 =	simm.s32 $_scs_section_size  }
0x9b: {  	s6 =	simm.s32 $_size__tile_overlayer_lowered;
	s7 =	simm.s32 $_tile_overlayer_lowered  }
0x9c: {  	s8 =	simm.s32 $0x1BFF;
	s21 =	sshll.u32 s7, $0x1;
	s5 =	sadd.s32 s5, s20  }
0x9d: {  	s22 =	simm.s32 $0x0;
	s6 =	sshll.u32 s6, $0x1;
	s7 =	sadd.s32 s21, s5  }
0x9e: {  	[timem:s22], [sflag:s8] =	dma.local [hbm:s7], s6  }
0x9f: {  	_ =	swait.ge [sflag:s8], s6  }
0xa0: {  	s6 =	ssub.s32 $0x0, s6;
	[sflag:s8] =	ssyncset.done $0x0  }
0xa1: {  	[sflag:s8] =	ssyncadd.s32 s6;
	_ =	sdelay $0x1  }
0xa2: {  	s23 =	simm.s32 $0x1B8B  }
0xa3: {  	_ =	swait.ge [sflag:s23], $0x1  }
0xa4: {  	[sflag:s23] =	ssyncset.done $0x0  }
0xa5: {  	[sflag:s23] =	ssyncadd.s32 $0xFFFFFFFF  }
0xa6: {  	s6 =	sld [smem:$0x0]  }
0xa7: {  	s7 =	sand.u32 $0xFFFFFFFE, s1  }
0xa8: {  	p0 =	sne.s32 s1, s7  }
0xa9: {  	s7 =	sshll.u32 @p0 s7, $0xE  }
0xaa: {  	s7 =	sadd.s32 @p0 $0x11B8D, s7;
	s8 =	sshll.u32 @p0 s6, $0x11  }
0xab: {  	s7 =	sor.u32 @p0 s8, s7  }
0xac: {  	[sflag:s7] =	ssyncadd.remote.s32 @p0 $0x1;
	_ =	sdelay $0x1  }
0xad: {  	s7 =	simm.s32 @p0 $0x1B8D  }
0xae: {  	_ =	swait.eq @p0 [sflag:s7], $0x1  }
0xaf: {  	[sflag:s7] =	ssyncadd.s32 @p0 $0xFFFFFFFF  }
0xb0: {  	s8 =	sshll.u32 @!p0 s1, $0xE  }
0xb1: {  	s8 =	sor.u32 @!p0 $0x4000, s8;
	s7 =	simm.s32 @!p0 $0x1B8D  }
0xb2: {  	s6 =	sshll.u32 @!p0 s6, $0x11;
	s8 =	sadd.s32 @!p0 $0x11B8D, s8;
	_ =	swait.eq @!p0 [sflag:s7], $0x1  }
0xb3: {  	s6 =	sor.u32 @!p0 s6, s8;
	[sflag:s7] =	ssyncadd.s32 @!p0 $0xFFFFFFFF  }
0xb4: {  	s25 =	simm.s32 $0x1B8E;
	s24 =	sld [smem:$0x3FFE];
	[sflag:s6] =	ssyncadd.remote.s32 @!p0 $0x1  }
0xb5: {  	s26 =	simm.s32 $execute0_lowered;
	[smem:$0x3FD2] =	sst s25  }
0xb6: {  	s7 =	sshll.u32 s26, $0x1;
	_ =	strace $0x8000004C;
	[dreg:$0x1] =	wrdreg $0xFFFFFFFF  }
0xb7: {  	s28 =	simm.s32 $_size_execute0_lowered;
	s5 =	sadd.s32 s5, s7;
	[dreg:$0x0] =	wrdreg $0x0  }
0xb8: {  	s7 =	sshll.u32 s28, $0x1;
	[dreg:$0x2] =	wrdreg s5  }
0xb9: {  	[dreg:$0x3] =	wrdreg s7  }
0xba: {  	[dreg:$0x4] =	wrdreg $0xC0  }
0xbb: {  	_ =	task [dreg:s22], $0x5FFFF  }
0xbc: {  	[dreg:$0x1] =	wrdreg $0xFFFFFFFF  }
0xbd: {  	[dreg:$0x0] =	wrdreg $0x60  }
0xbe: {  	[dreg:$0x2] =	wrdreg s18  }
0xbf: {  	[dreg:$0x3] =	wrdreg s4  }
0xc0: {  	[dreg:$0x4] =	wrdreg s24  }
0xc1: {  	[dreg:$0x5] =	wrdreg $0xB  }
0xc2: {  	_ =	task.clear_ibuf [dreg:s22], $0x6FFFF;
	_ =	strace $0x9000004C  }
0xc3: {  	s29 =	simm.s32 $0xB;
	_ =	strace $0x8000004E  }
0xc4: {  	_ =	swait.ge [sflag:s29], $0x1  }
0xc5: {  	[sflag:s29] =	ssyncadd.s32 $0xFFFFFFFF  }
0xc6: {  	_ =	strace $0x9000004E  }
0xc7: {  	_ =	sfence  }
0xc8: {  	s30 =	sld [smem:$0x0];
	_ =	sdelay $0x2  }
0xc9: {  	s31 =	sshll.u32 s1, $0xD;
	s1 =	sshrl.u32 s1, $0x2  }
0xca: {  	s4 =	sand.u32 $0x4000, s31;
	s1 =	sadd.s32 s1, s30  }
0xcb: {  	s0 =	sor.u32 s4, s0;
	s1 =	sshll.u32 s1, $0x11  }
0xcc: {  	s0 =	sor.u32 s1, s0  }
0xcd: {  	s0 =	sadd.s32 $0x8F2B, s0  }
0xce: {  	[sflag:s0] =	ssyncadd.remote.s32 $0x1  }
0xcf: {  	_ =	sfence.sel $0xFFFF  }
0xd0: {  	[dreg:$0x0] =	wrdreg $0xFFFFFFFF;
	(pc) =	sbr.abs _section_cstart, $3  }
0xd1: {  	[dreg:$0x1] =	wrdreg $0xFFFFFFFF  }
0xd2: {  	_ =	task.clear_ibuf [dreg:s22], $0x2FFFF;
	_ =	strace $0x9FFFFFFF  }
0xd3: {  	(tm) =	ssettm $0x7FFFFFFF  }
tec
execute0_lowered:
.L_overlay_start_1:
0x0: {  	(tag) =	ssettag $0x1  }
0x1: {  	s1 =	rddreg [dreg:$0x0]  }
0x2: {  	s2 =	rddreg [dreg:$0x1];
	s3 =	srdreg.scid  }
0x3: {  	s0 =	stileid.u32;
	s4 =	rddreg [dreg:$0x2]  }
0x4: {  	s9 =	simm.s32 $0x1900;
	s10 =	simm.s32 $0x2100;
	s11 =	simm.s32 $0x2900  }
0x5: {  	s12 =	simm.s32 $0x3100;
	s13 =	simm.s32 $0x3900;
	s14 =	simm.s32 $0x4100  }
0x6: {  	s15 =	simm.s32 $0x4900;
	s16 =	simm.s32 $0x5100;
	s17 =	simm.s32 $0x5900  }
0x7: {  	s18 =	simm.s32 $0x6100;
	s19 =	simm.s32 $0x6900;
	s20 =	simm.s32 $0x7100  }
0x8: {  	s21 =	simm.s32 $0x7900;
	s22 =	simm.s32 $0x8100;
	s23 =	simm.s32 $0x8900  }
0x9: {  	s28 =	simm.s32 $0xA900;
	s5 =	sand.u32 $0x1, s3;
	s6 =	sshll.u32 s0, $0x1  }
0xa: {  	s29 =	simm.s32 $0xB100;
	s30 =	simm.s32 $0xB900;
	s6 =	sor.u32 s5, s6  }
0xb: {  	s31 =	simm.s32 $0x1;
	s3 =	simm.s32 $0x0;
	s7 =	smul.u32 $0xC0, s6  }
0xc: {  	s4 =	sadd.s32 $0x52800, s4;
	s5 =	ssub.s32 $0x2, s5;
	s8 =	smul.u32 $0xC000, s6  }
0xd: {  	[smem:$0x7FF] =	sst s3;
	s6 =	smul.u32 $0x1800, s6;
	s24 =	sshrl.u32 s5, $0x1  }
0xe: {  	_ =	strace $0x8000004D;
	s5 =	ssub.s32 s5, s24;
	s24 =	simm.s32 $0x9100  }
0xf: {  	s7 =	sshrl.u32 s7, $0x3;
	s8 =	sshrl.u32 s8, $0x3;
	s25 =	sadd.s32 s4, s6  }
0x10: {  	s6 =	simm.s32 $0x100;
	s1 =	sadd.s32 s1, s7;
	s4 =	sadd.s32 s4, s8  }
0x11: {  	[dreg:$0x5] =	wrdreg s25;
	s7 =	simm.s32 $0x900;
	s8 =	simm.s32 $0x1100  }
0x12: {  	v2 =	vlaneseq.u32;
	s25 =	simm.s32 $0x9900;
	s1 =	sadd.s32 $0x500, s1;
	s26 =	sadd.s32 $0x1000, s4  }
0x13: {  	vm0 =	vmmov $0xffff;
	v1 =	vshrl.u32 v2, $0x3;
	s4 =	smax.u32 s5, $0x1;
	s5 =	simm.s32 $0x3;
	[dreg:$0x4] =	wrdreg s1  }
0x14: {  	v0 =	vand.u32 $0x7, v2;
	v2 =	vor.u32 $0x8, v2;
	v1 =	vmul.u32 $0x8, v1;
	[dreg:$0x6] =	wrdreg s26;
	s26 =	simm.s32 $0xA100;
	s1 =	simm.s32 $0x2  }
.LBB2_1:
0x15: {  	s0 =	rddreg [dreg:$0x4]  }
0x16: {  	[tilespmem:s3], [sflag:$0x3] =	stream.linear.gather [hbm4b:s0+s3], $0xC0, $0x38;
	[tilespmem:$0x10100] =	vst v63  }
0x17: {  	_ =	swait.ge [sflag:s5], $0xC0  }
0x18: {  	[sflag:s5] =	ssyncset.done $0x0  }
0x19: {  	[sflag:s5] =	ssyncadd.s32 $0xFFFFFF40  }
0x1a: {  	v3 =	vld [tilespmem:$0x0]  }
0x1b: {  	v4 =	vld [tilespmem:$0x10]  }
0x1c: {  	v5 =	vld [tilespmem:$0x20]  }
0x1d: {  	v6 =	vld [tilespmem:$0x30];
	_ =	sdelay $0x1  }
0x1e: {  	v7 =	vld [tilespmem:$0x40]  }
0x1f: {  	v8 =	vld [tilespmem:$0x50];
	vm1 =	vgt.s32 v3, $0x0  }
0x20: {  	vm2 =	vgt.s32 v5, $0x0;
	v3 =	vnsel vm1, $0x0, v3;
	vm1 =	vgt.s32 v4, $0x0  }
0x21: {  	v9 =	vld [tilespmem:$0x60];
	v5 =	vnsel vm2, $0x0, v5;
	v4 =	vnsel vm1, $0x0, v4;
	vm1 =	vgt.s32 v6, $0x0  }
0x22: {  	v10 =	vld [tilespmem:$0x70];
	v3 =	vmin.u32 v3, $0xF42A3;
	v5 =	vmin.u32 v5, $0xF42A3;
	v6 =	vnsel vm1, $0x0, v6  }
0x23: {  	v11 =	vld [tilespmem:$0x80];
	vm1 =	vgt.s32 v7, $0x0;
	v4 =	vmin.u32 v4, $0xF42A3;
	v42 =	vshll.u32 v3, $0x1  }
0x24: {  	v12 =	vld [tilespmem:$0x90];
	[tilespmem:$0x0] =	vst v3;
	v3 =	vand.u32 $0x7, v3;
	v7 =	vnsel vm1, $0x0, v7;
	vm1 =	vgt.s32 v8, $0x0  }
0x25: {  	[tilespmem:$0x20] =	vst v5;
	v6 =	vmin.u32 v6, $0xF42A3;
	v8 =	vnsel vm1, $0x0, v8;
	v40 =	vmin.u32 v7, $0xF42A3  }
0x26: {  	v43 =	vld [tilespmem:$0xA0];
	[tilespmem:$0x10] =	vst v4;
	vm1 =	vgt.s32 v9, $0x0;
	v41 =	vmin.u32 v8, $0xF42A3;
	v8 =	vand.u32 $0x1FFFF0, v42  }
0x27: {  	v45 =	vld [tilespmem:$0xB0];
	[tilespmem:$0x30] =	vst v6;
	v44 =	vnsel vm1, $0x0, v9;
	vm1 =	vgt.s32 v10, $0x0;
	v3 =	vor.u32 v3, v8  }
0x28: {  	[tilespmem:$0x40] =	vst v40;
	v46 =	vmin.u32 v44, $0xF42A3;
	v47 =	vnsel vm1, $0x0, v10;
	vm1 =	vgt.s32 v11, $0x0  }
0x29: {  	[tilespmem:$0x50] =	vst v41;
	v48 =	vnsel vm1, $0x0, v11;
	vm1 =	vgt.s32 v12, $0x0;
	v49 =	vperm.xlane v3, v0  }
0x2a: {  	[tilespmem:$0x60] =	vst v46;
	v6 =	vmin.u32 v47, $0xF42A3;
	v3 =	vperm.xlane v3, v2;
	v50 =	vnsel vm1, $0x0, v12  }
0x2b: {  	v7 =	vmin.u32 v48, $0xF42A3;
	[tilespmem:$0x70] =	vst v6;
	vm1 =	vgt.s32 v43, $0x0;
	v51 =	vadd.s32 v1, v49  }
0x2c: {  	[tilespmem:$0x80] =	vst v7;
	v4 =	vmin.u32 v50, $0xF42A3;
	v5 =	vnsel vm1, $0x0, v43;
	vm1 =	vgt.s32 v45, $0x0  }
0x2d: {  	v3 =	vadd.s32 v1, v3;
	[tilespmem:$0x90] =	vst v4;
	v52 =	vnsel vm1, $0x0, v45;
	v5 =	vmin.u32 v5, $0xF42A3  }
0x2e: {  	[tilespmem:$0xA0] =	vst v5;
	v4 =	vmin.u32 v52, $0xF42A3  }
0x2f: {  	[tilespmem:$0xB0] =	vst v4  }
0x30: {  	[tilespmem:s6], [sflag:$0x1] =	stream.indirect_vreg.gather [hbm4b:s2+s3], $0x80, v51, vm0, $0xb8;
	[tilespmem:$0x10100] =	vst v63  }
0x31: {  	_ = 	snop  }
0x32: {  	[tilespmem:s7], [sflag:$0x1] =	stream.indirect_vreg.gather [hbm4b:s2+s3], $0x80, v3, vm0, $0xb8;
	[tilespmem:$0x10100] =	vst v63  }
0x33: {  	v3 =	vld [tilespmem:$0x10];
	_ =	sdelay $0x4  }
0x34: {  	v53 =	vshll.u32 v3, $0x1  }
0x35: {  	v3 =	vand.u32 $0x7, v3;
	v4 =	vand.u32 $0xFFFFFFF0, v53  }
0x36: {  	v3 =	vor.u32 v3, v4  }
0x37: {  	v4 =	vperm.xlane v3, v0;
	_ =	sdelay $0x1  }
0x38: {  	v3 =	vperm.xlane v3, v2;
	v4 =	vadd.s32 v1, v4;
	_ =	sdelay $0x1  }
0x39: {  	v3 =	vadd.s32 v1, v3;
	_ =	sdelay $0x2  }
0x3a: {  	[tilespmem:s8], [sflag:$0x1] =	stream.indirect_vreg.gather [hbm4b:s2+s3], $0x80, v4, vm0, $0xb8;
	[tilespmem:$0x10100] =	vst v63  }
0x3b: {  	_ = 	snop  }
0x3c: {  	[tilespmem:s9], [sflag:$0x1] =	stream.indirect_vreg.gather [hbm4b:s2+s3], $0x80, v3, vm0, $0xb8;
	[tilespmem:$0x10100] =	vst v63  }
0x3d: {  	v3 =	vld [tilespmem:$0x20];
	_ =	sdelay $0x4  }
0x3e: {  	v54 =	vshll.u32 v3, $0x1  }
0x3f: {  	v3 =	vand.u32 $0x7, v3;
	v4 =	vand.u32 $0xFFFFFFF0, v54  }
0x40: {  	v3 =	vor.u32 v3, v4  }
0x41: {  	v4 =	vperm.xlane v3, v0;
	_ =	sdelay $0x1  }
0x42: {  	v3 =	vperm.xlane v3, v2;
	v4 =	vadd.s32 v1, v4;
	_ =	sdelay $0x1  }
0x43: {  	v3 =	vadd.s32 v1, v3;
	_ =	sdelay $0x2  }
0x44: {  	[tilespmem:s10], [sflag:$0x1] =	stream.indirect_vreg.gather [hbm4b:s2+s3], $0x80, v4, vm0, $0xb8;
	[tilespmem:$0x10100] =	vst v63  }
0x45: {  	_ = 	snop  }
0x46: {  	[tilespmem:s11], [sflag:$0x1] =	stream.indirect_vreg.gather [hbm4b:s2+s3], $0x80, v3, vm0, $0xb8;
	[tilespmem:$0x10100] =	vst v63  }
0x47: {  	v3 =	vld [tilespmem:$0x30];
	_ =	sdelay $0x4  }
0x48: {  	v55 =	vshll.u32 v3, $0x1  }
0x49: {  	v3 =	vand.u32 $0x7, v3;
	v4 =	vand.u32 $0xFFFFFFF0, v55  }
0x4a: {  	v3 =	vor.u32 v3, v4  }
0x4b: {  	v4 =	vperm.xlane v3, v0;
	_ =	sdelay $0x1  }
0x4c: {  	v3 =	vperm.xlane v3, v2;
	v4 =	vadd.s32 v1, v4;
	_ =	sdelay $0x1  }
0x4d: {  	v3 =	vadd.s32 v1, v3;
	_ =	sdelay $0x2  }
0x4e: {  	[tilespmem:s12], [sflag:$0x1] =	stream.indirect_vreg.gather [hbm4b:s2+s3], $0x80, v4, vm0, $0xb8;
	[tilespmem:$0x10100] =	vst v63  }
0x4f: {  	_ = 	snop  }
0x50: {  	[tilespmem:s13], [sflag:$0x1] =	stream.indirect_vreg.gather [hbm4b:s2+s3], $0x80, v3, vm0, $0xb8;
	[tilespmem:$0x10100] =	vst v63  }
0x51: {  	v3 =	vld [tilespmem:$0x40];
	_ =	sdelay $0x4  }
0x52: {  	v56 =	vshll.u32 v3, $0x1  }
0x53: {  	v3 =	vand.u32 $0x7, v3;
	v4 =	vand.u32 $0xFFFFFFF0, v56  }
0x54: {  	v3 =	vor.u32 v3, v4  }
0x55: {  	v4 =	vperm.xlane v3, v0;
	_ =	sdelay $0x1  }
0x56: {  	v3 =	vperm.xlane v3, v2;
	v4 =	vadd.s32 v1, v4;
	_ =	sdelay $0x1  }
0x57: {  	v3 =	vadd.s32 v1, v3;
	_ =	sdelay $0x2  }
0x58: {  	[tilespmem:s14], [sflag:$0x1] =	stream.indirect_vreg.gather [hbm4b:s2+s3], $0x80, v4, vm0, $0xb8;
	[tilespmem:$0x10100] =	vst v63  }
0x59: {  	_ = 	snop  }
0x5a: {  	[tilespmem:s15], [sflag:$0x1] =	stream.indirect_vreg.gather [hbm4b:s2+s3], $0x80, v3, vm0, $0xb8;
	[tilespmem:$0x10100] =	vst v63  }
0x5b: {  	v3 =	vld [tilespmem:$0x50];
	_ =	sdelay $0x4  }
0x5c: {  	v57 =	vshll.u32 v3, $0x1  }
0x5d: {  	v3 =	vand.u32 $0x7, v3;
	v4 =	vand.u32 $0xFFFFFFF0, v57  }
0x5e: {  	v3 =	vor.u32 v3, v4  }
0x5f: {  	v4 =	vperm.xlane v3, v0;
	_ =	sdelay $0x1  }
0x60: {  	v3 =	vperm.xlane v3, v2;
	v4 =	vadd.s32 v1, v4;
	_ =	sdelay $0x1  }
0x61: {  	v3 =	vadd.s32 v1, v3;
	_ =	sdelay $0x2  }
0x62: {  	[tilespmem:s16], [sflag:$0x1] =	stream.indirect_vreg.gather [hbm4b:s2+s3], $0x80, v4, vm0, $0xb8;
	[tilespmem:$0x10100] =	vst v63  }
0x63: {  	_ = 	snop  }
0x64: {  	[tilespmem:s17], [sflag:$0x1] =	stream.indirect_vreg.gather [hbm4b:s2+s3], $0x80, v3, vm0, $0xb8;
	[tilespmem:$0x10100] =	vst v63  }
0x65: {  	v3 =	vld [tilespmem:$0x60];
	_ =	sdelay $0x4  }
0x66: {  	v58 =	vshll.u32 v3, $0x1  }
0x67: {  	v3 =	vand.u32 $0x7, v3;
	v4 =	vand.u32 $0xFFFFFFF0, v58  }
0x68: {  	v3 =	vor.u32 v3, v4  }
0x69: {  	v4 =	vperm.xlane v3, v0;
	_ =	sdelay $0x1  }
0x6a: {  	v3 =	vperm.xlane v3, v2;
	v4 =	vadd.s32 v1, v4;
	_ =	sdelay $0x1  }
0x6b: {  	v3 =	vadd.s32 v1, v3;
	_ =	sdelay $0x2  }
0x6c: {  	[tilespmem:s18], [sflag:$0x1] =	stream.indirect_vreg.gather [hbm4b:s2+s3], $0x80, v4, vm0, $0xb8;
	[tilespmem:$0x10100] =	vst v63  }
0x6d: {  	_ = 	snop  }
0x6e: {  	[tilespmem:s19], [sflag:$0x1] =	stream.indirect_vreg.gather [hbm4b:s2+s3], $0x80, v3, vm0, $0xb8;
	[tilespmem:$0x10100] =	vst v63  }
0x6f: {  	v3 =	vld [tilespmem:$0x70];
	_ =	sdelay $0x4  }
0x70: {  	v59 =	vshll.u32 v3, $0x1  }
0x71: {  	v3 =	vand.u32 $0x7, v3;
	v4 =	vand.u32 $0xFFFFFFF0, v59  }
0x72: {  	v3 =	vor.u32 v3, v4  }
0x73: {  	v4 =	vperm.xlane v3, v0;
	_ =	sdelay $0x1  }
0x74: {  	v3 =	vperm.xlane v3, v2;
	v4 =	vadd.s32 v1, v4;
	_ =	sdelay $0x1  }
0x75: {  	v3 =	vadd.s32 v1, v3;
	_ =	sdelay $0x2  }
0x76: {  	[tilespmem:s20], [sflag:$0x1] =	stream.indirect_vreg.gather [hbm4b:s2+s3], $0x80, v4, vm0, $0xb8;
	[tilespmem:$0x10100] =	vst v63  }
0x77: {  	_ = 	snop  }
0x78: {  	[tilespmem:s21], [sflag:$0x1] =	stream.indirect_vreg.gather [hbm4b:s2+s3], $0x80, v3, vm0, $0xb8;
	[tilespmem:$0x10100] =	vst v63  }
0x79: {  	v3 =	vld [tilespmem:$0x80];
	_ =	sdelay $0x4  }
0x7a: {  	v60 =	vshll.u32 v3, $0x1  }
0x7b: {  	v3 =	vand.u32 $0x7, v3;
	v4 =	vand.u32 $0xFFFFFFF0, v60  }
0x7c: {  	v3 =	vor.u32 v3, v4  }
0x7d: {  	v4 =	vperm.xlane v3, v0;
	_ =	sdelay $0x1  }
0x7e: {  	v3 =	vperm.xlane v3, v2;
	v4 =	vadd.s32 v1, v4;
	_ =	sdelay $0x1  }
0x7f: {  	v3 =	vadd.s32 v1, v3;
	_ =	sdelay $0x2  }
0x80: {  	[tilespmem:s22], [sflag:$0x2] =	stream.indirect_vreg.gather [hbm4b:s2+s3], $0x80, v4, vm0, $0xb8;
	[tilespmem:$0x10100] =	vst v63  }
0x81: {  	_ = 	snop  }
0x82: {  	[tilespmem:s23], [sflag:$0x2] =	stream.indirect_vreg.gather [hbm4b:s2+s3], $0x80, v3, vm0, $0xb8;
	[tilespmem:$0x10100] =	vst v63  }
0x83: {  	v3 =	vld [tilespmem:$0x90];
	_ =	sdelay $0x4  }
0x84: {  	v61 =	vshll.u32 v3, $0x1  }
0x85: {  	v3 =	vand.u32 $0x7, v3;
	v4 =	vand.u32 $0xFFFFFFF0, v61  }
0x86: {  	v3 =	vor.u32 v3, v4  }
0x87: {  	v4 =	vperm.xlane v3, v0;
	_ =	sdelay $0x1  }
0x88: {  	v3 =	vperm.xlane v3, v2;
	v4 =	vadd.s32 v1, v4;
	_ =	sdelay $0x1  }
0x89: {  	v3 =	vadd.s32 v1, v3;
	_ =	sdelay $0x2  }
0x8a: {  	[tilespmem:s24], [sflag:$0x2] =	stream.indirect_vreg.gather [hbm4b:s2+s3], $0x80, v4, vm0, $0xb8;
	[tilespmem:$0x10100] =	vst v63  }
0x8b: {  	_ = 	snop  }
0x8c: {  	[tilespmem:s25], [sflag:$0x2] =	stream.indirect_vreg.gather [hbm4b:s2+s3], $0x80, v3, vm0, $0xb8;
	[tilespmem:$0x10100] =	vst v63  }
0x8d: {  	v3 =	vld [tilespmem:$0xA0];
	_ =	sdelay $0x4  }
0x8e: {  	v62 =	vshll.u32 v3, $0x1  }
0x8f: {  	v3 =	vand.u32 $0x7, v3;
	v4 =	vand.u32 $0xFFFFFFF0, v62  }
0x90: {  	v3 =	vor.u32 v3, v4  }
0x91: {  	v4 =	vperm.xlane v3, v0;
	_ =	sdelay $0x1  }
0x92: {  	v3 =	vperm.xlane v3, v2;
	v4 =	vadd.s32 v1, v4;
	_ =	sdelay $0x1  }
0x93: {  	v3 =	vadd.s32 v1, v3;
	_ =	sdelay $0x2  }
0x94: {  	[tilespmem:s26], [sflag:$0x2] =	stream.indirect_vreg.gather [hbm4b:s2+s3], $0x80, v4, vm0, $0xb8;
	[tilespmem:$0x10100] =	vst v63  }
0x95: {  	_ = 	snop  }
0x96: {  	[tilespmem:s28], [sflag:$0x2] =	stream.indirect_vreg.gather [hbm4b:s2+s3], $0x80, v3, vm0, $0xb8;
	[tilespmem:$0x10100] =	vst v63  }
0x97: {  	v3 =	vld [tilespmem:$0xB0];
	_ =	sdelay $0x4  }
0x98: {  	v63 =	vshll.u32 v3, $0x1  }
0x99: {  	v3 =	vand.u32 $0x7, v3;
	v4 =	vand.u32 $0xFFFFFFF0, v63  }
0x9a: {  	v3 =	vor.u32 v3, v4  }
0x9b: {  	v4 =	vperm.xlane v3, v0;
	_ =	sdelay $0x1  }
0x9c: {  	v3 =	vperm.xlane v3, v2;
	v4 =	vadd.s32 v1, v4;
	_ =	sdelay $0x1  }
0x9d: {  	v3 =	vadd.s32 v1, v3;
	_ =	sdelay $0x2  }
0x9e: {  	[tilespmem:s29], [sflag:$0x2] =	stream.indirect_vreg.gather [hbm4b:s2+s3], $0x80, v4, vm0, $0xb8;
	[tilespmem:$0x10100] =	vst v63  }
0x9f: {  	_ = 	snop  }
0xa0: {  	[tilespmem:s30], [sflag:$0x2] =	stream.indirect_vreg.gather [hbm4b:s2+s3], $0x80, v3, vm0, $0xb8;
	[tilespmem:$0x10100] =	vst v63  }
0xa1: {  	_ =	swait.ge [sflag:s31], $0x8000  }
0xa2: {  	[sflag:s31] =	ssyncset.done $0x0  }
0xa3: {  	s0 =	rddreg [dreg:$0x5];
	[sflag:s31] =	ssyncadd.s32 $0xFFFF8000  }
0xa4: {  	[hbm4b:s0+s3] =	stream.linear.scatter [tilespmem:s6], [sflag:$0x3], $0x8000, $0x38;
	[tilespmem:$0x10100] =	vst v63  }
0xa5: {  	_ =	swait.ge [sflag:s5], $0x8000  }
0xa6: {  	[sflag:s5] =	ssyncset.done $0x0  }
0xa7: {  	[sflag:s5] =	ssyncadd.s32 $0xFFFF8000  }
0xa8: {  	_ =	swait.ge [sflag:s1], $0x4000  }
0xa9: {  	p0 =	sne.s32 s4, $0x1;
	[sflag:s1] =	ssyncset.done $0x0  }
.Ltmp0:
0xaa: {  	s0 =	rddreg [dreg:$0x6];
	[sflag:s1] =	ssyncadd.s32 $0xFFFFC000;
	(pc) =	sbr.rel @p0 .LBB2_1-.Ltmp0, $4  }
0xab: {  	[hbm4b:s0+s3] =	stream.linear.scatter [tilespmem:s22], [sflag:$0x3], $0x4000, $0x38;
	[tilespmem:$0x10100] =	vst v63  }
0xac: {  	_ =	swait.ge [sflag:s5], $0x4000  }
0xad: {  	[sflag:s5] =	ssyncset.done $0x0  }
0xae: {  	s4 =	sadd.s32 $0xFFFFFFFF, s4;
	[sflag:s5] =	ssyncadd.s32 $0xFFFFC000  }
0xaf: {  	_ =	sfence.sel $0x180000  }
0xb0: {  	[bflag:$0x0] =	sbarrier.arrive $0xFFFF  }
0xb1: {  	_ =	strace $0x9000004D  }
0xb2: {  	s0 =	stileid.u32;
	[bflag:$0x2] =	sbarrier.arrive $0xFFFF  }
0xb3: {  	p0 =	sne.s32 s0, $0x0;
	s0 =	rddreg [dreg:$0x3]  }
0xb4: {  	s0 =	sadd.s32 @!p0 $0x100000, s0  }
0xb5: {  	[sflag:s0] =	ssyncadd.tile.s32 @!p0 $0x1;
	_ =	shalt  }
.Lfunc_end2:
_tile_overlayer_lowered:
.L_overlay_start_2:
0xb6: {  	(tag) =	ssettag $0x2  }
0xb7: {  	s0 =	rddreg [dreg:$0x0];
	s2 =	stileid.u32  }
0xb8: {  	s1 =	rddreg [dreg:$0x1];
	p0 =	sne.s32 s2, $0x0  }
0xb9: {  	s3 =	rddreg [dreg:$0x2];
	[bflag:$0x3] =	sbarrier.arrive $0xFFFF;
	s2 =	simm.s32 @!p0 $0x1C03  }
0xba: {  	[timem:s3], [sflag:s2] =	dma.local @!p0 [hbm:s0], s1  }
0xbb: {  	s0 =	simm.s32 @!p0 $0x3  }
0xbc: {  	_ =	swait.ge @!p0 [sflag:s0], s1  }
0xbd: {  	s1 =	ssub.s32 @!p0 $0x0, s1;
	[sflag:s0] =	ssyncset.done @!p0 $0x0  }
0xbe: {  	[sflag:s0] =	ssyncadd.s32 @!p0 s1  }
0xbf: {  	[bflag:$0x3] =	sbarrier.arrive $0xFFFF  }
0xc0: {  	_ =	shalt  }

// kernel: kernel.8.cloned.1.call-start
scs
__scs_entry_jumppad:
0x0: {  	(pc) =	sbr.rel $0x88, $3  }
0x1: {  	(tag) =	ssettag $0x0;
	lr =	simm.s32 $0x1  }
0x2: {  	[smem:$0x3F96] =	sst lr;
	_ =	strace $0xD0000000  }
0x3: {  	_ = 	snop  }
0x4: {  	_ = 	snop  }
0x5: {  	_ = 	snop  }
0x6: {  	_ = 	snop  }
0x7: {  	_ = 	snop  }
__scs_overlays_trampoline_lowered:
0x8: {  	[smem:$0x3FA5] =	sst s0  }
0x9: {  	[smem:$0x3FA6] =	sst s1  }
0xa: {  	[smem:$0x3FA7] =	sst s2  }
0xb: {  	[smem:$0x3FA8] =	sst s3  }
0xc: {  	[smem:$0x3FA9] =	sst s4  }
0xd: {  	[smem:$0x3FAA] =	sst s5  }
0xe: {  	[smem:$0x3FAB] =	sst s6  }
0xf: {  	[smem:$0x3FAC] =	sst s7  }
0x10: {  	[smem:$0x3FAD] =	sst s8  }
0x11: {  	[smem:$0x3FAE] =	sst s9;
	s0 =	simm.s32 @!p0 $0x0  }
0x12: {  	s1 =	sld [smem:$0x3F94];
	s0 =	simm.s32 @p0 $0x1  }
0x13: {  	[smem:$0x3FAF] =	sst s0;
	s0 =	simm.s32 @!p1 $0x0  }
0x14: {  	s2 =	sld [smem:$0x3F93];
	s0 =	simm.s32 @p1 $0x1  }
0x15: {  	[smem:$0x3FB0] =	sst s0;
	s0 =	simm.s32 @!p2 $0x0  }
0x16: {  	s3 =	sld [smem:$0x3FDB];
	s0 =	simm.s32 @p2 $0x1  }
0x17: {  	s4 =	simm.s32 $0x1BF5;
	[smem:$0x3FB2] =	sst s0  }
0x18: {  	s0 =	sld [smem:$0x3F95];
	_ =	swait.ge [sflag:s4], $0x0  }
0x19: {  	s7 =	sld [smem:$0x3F96]  }
0x1a: {  	s8 =	sadd.s32 $0xFFFFE003, lr  }
0x1b: {  	s9 =	sadd.s32 $0xFFFFFEF7, lr;
	s5 =	simm.s32 $0xFFFFFFFF;
	p2 =	slt.u32 s8, $0xFFFFF086  }
0x1c: {  	p1 =	slt.u32 s9, $0xF7A;
	s5 =	simm.s32 @!p2 $0x0  }
0x1d: {  	s5 =	simm.s32 @p1 $0x1;
	p0 =	seq.s32 s7, s2  }
0x1e: {  	s7 =	smul.u32 @!p0 $0xF7A, s2;
	p2 =	seq.s32 @!p0 s5, $0x0  }
0x1f: {  	s9 =	smul.u32 $0xF7A, s1;
	s8 =	simm.s32 @!p0 $0x1BF5;
	p2 =	por !p2, p0  }
0x20: {  	[sflag:s8] =	ssyncset.s32 @!p0 $0xFFFFF086;
	s6 =	sadd.s32 @!p0 s3, s7;
	s7 =	simm.s32 @!p0 $0x108  }
0x21: {  	s3 =	sadd.s32 s3, s9;
	s6 =	sadd.s32 @!p0 $0x88, s6;
	s7 =	simm.s32 @p2 $0x1082  }
0x22: {  	[simem:s7], [sflag:s8] =	dma.local @!p0 [hbm:s6], $0xF7A  }
0x23: {  	s9 =	sor.u32 $0xD0000000, s2;
	s6 =	simm.s32 $0x108;
	_ =	swait.ge @!p0 [sflag:s8], $0x0  }
0x24: {  	s3 =	sadd.s32 $0x88, s3;
	s6 =	simm.s32 @!p1 $0x1082;
	[sflag:s4] =	ssyncset.s32 $0xFFFFF086  }
0x25: {  	[simem:s6], [sflag:s4] =	dma.local [hbm:s3], $0xF7A  }
0x26: {  	[smem:$0x3F96] =	sst s1;
	(tag) =	ssettag s2;
	_ =	strace s9  }
0x27: {  	s1 =	sld [smem:$0x3FA6]  }
0x28: {  	s2 =	sld [smem:$0x3FA7]  }
0x29: {  	s4 =	sld [smem:$0x3FA9]  }
0x2a: {  	p0 =	seq.s32 s5, $0x0;
	s5 =	sld [smem:$0x3FAA]  }
0x2b: {  	s6 =	sld [smem:$0x3FAB]  }
0x2c: {  	s7 =	sld [smem:$0x3FAC]  }
0x2d: {  	s3 =	simm.s32 $0x108;
	s8 =	sld [smem:$0x3FAD]  }
0x2e: {  	s3 =	simm.s32 @!p0 $0x1082;
	s9 =	sld [smem:$0x3FAE]  }
0x2f: {  	lr =	sadd.s32 s0, s3;
	s0 =	sld [smem:$0x3FA5]  }
0x30: {  	s3 =	sld [smem:$0x3FA8]  }
0x31: {  	[smem:$0x3FB1] =	sst s10  }
0x32: {  	s10 =	sld [smem:$0x3FAF];
	_ =	sdelay $0x3  }
0x33: {  	p0 =	seq.s32 s10, $0x1;
	s10 =	sld [smem:$0x3FB1];
	_ =	sdelay $0x3  }
0x34: {  	[smem:$0x3FB1] =	sst s10  }
0x35: {  	s10 =	sld [smem:$0x3FB0];
	_ =	sdelay $0x3  }
0x36: {  	p1 =	seq.s32 s10, $0x1;
	s10 =	sld [smem:$0x3FB1];
	_ =	sdelay $0x3  }
0x37: {  	[smem:$0x3FB1] =	sst s10  }
0x38: {  	s10 =	sld [smem:$0x3FB2]  }
0x39: {  	_ = 	snop;
	(pc) =	sbr.ind lr, $3  }
0x3a: {  	_ = 	snop  }
0x3b: {  	_ = 	snop  }
0x3c: {  	p2 =	seq.s32 s10, $0x1;
	s10 =	sld [smem:$0x3FB1]  }
0x3d: {  	_ =	shalt  }
0x3e: {  	_ =	shalt  }
0x3f: {  	_ =	shalt  }
0x40: {  	_ =	shalt  }
0x41: {  	_ =	shalt  }
0x42: {  	_ =	shalt  }
0x43: {  	_ =	shalt  }
0x44: {  	_ =	shalt  }
0x45: {  	_ =	shalt  }
0x46: {  	_ =	shalt  }
0x47: {  	_ =	shalt  }
0x48: {  	_ =	shalt  }
0x49: {  	_ =	shalt  }
0x4a: {  	_ =	shalt  }
0x4b: {  	_ =	shalt  }
0x4c: {  	_ =	shalt  }
0x4d: {  	_ =	shalt  }
0x4e: {  	_ =	shalt  }
0x4f: {  	_ =	shalt  }
0x50: {  	_ =	shalt  }
0x51: {  	_ =	shalt  }
0x52: {  	_ =	shalt  }
0x53: {  	_ =	shalt  }
0x54: {  	_ =	shalt  }
0x55: {  	_ =	shalt  }
0x56: {  	_ =	shalt  }
0x57: {  	_ =	shalt  }
0x58: {  	_ =	shalt  }
0x59: {  	_ =	shalt  }
0x5a: {  	_ =	shalt  }
0x5b: {  	_ =	shalt  }
0x5c: {  	_ =	shalt  }
0x5d: {  	_ =	shalt  }
0x5e: {  	_ =	shalt  }
0x5f: {  	_ =	shalt  }
0x60: {  	_ =	shalt  }
0x61: {  	_ =	shalt  }
0x62: {  	_ =	shalt  }
0x63: {  	_ =	shalt  }
0x64: {  	_ =	shalt  }
0x65: {  	_ =	shalt  }
0x66: {  	_ =	shalt  }
0x67: {  	_ =	shalt  }
0x68: {  	_ =	shalt  }
0x69: {  	_ =	shalt  }
0x6a: {  	_ =	shalt  }
0x6b: {  	_ =	shalt  }
0x6c: {  	_ =	shalt  }
0x6d: {  	_ =	shalt  }
0x6e: {  	_ =	shalt  }
0x6f: {  	_ =	shalt  }
0x70: {  	_ =	shalt  }
0x71: {  	_ =	shalt  }
0x72: {  	_ =	shalt  }
0x73: {  	_ =	shalt  }
0x74: {  	_ =	shalt  }
0x75: {  	_ =	shalt  }
0x76: {  	_ =	shalt  }
0x77: {  	_ =	shalt  }
0x78: {  	_ =	shalt  }
0x79: {  	_ =	shalt  }
0x7a: {  	_ =	shalt  }
0x7b: {  	_ =	shalt  }
0x7c: {  	_ =	shalt  }
0x7d: {  	_ =	shalt  }
0x7e: {  	_ =	shalt  }
0x7f: {  	_ =	shalt  }
0x80: {  	_ =	shalt  }
0x81: {  	_ =	shalt  }
0x82: {  	_ =	shalt  }
0x83: {  	_ =	shalt  }
0x84: {  	_ =	shalt  }
0x85: {  	_ =	shalt  }
0x86: {  	_ =	shalt  }
0x87: {  	_ =	shalt  }
.Lfunc_end0:
.L_simem_size_0:
called_computation_lowered:
.L_overlay_start_0:
0x88: {  	s2 =	sld [smem:$0x3FD9]  }
0x89: {  	s3 =	sld [smem:$0x3FFE];
	_ =	sdelay $0x1  }
0x8a: {  	s1 =	srdreg.scid  }
0x8b: {  	s0 =	sand.u32 $0x1, s1  }
0x8c: {  	s17 =	sshll.u32 s0, $0xA;
	s2 =	sadd.s32 s3, s2  }
0x8d: {  	s2 =	sadd.s32 s2, s17  }
0x8e: {  	[smem:$0x3FBD] =	sst s2  }
0x8f: {  	_ = 	snop  }
0x90: {  	s2 =	sld [smem:$0x3FC9]  }
0x91: {  	s18 =	sld [smem:$0x3FC7];
	(tm) =	ssettm $0x1  }
0x92: {  	s4 =	sld [smem:$0x3FFB];
	_ =	sdelay $0x3  }
0x93: {  	_ =	strace s4  }
0x94: {  	s4 =	sld [smem:$0x3FFC];
	_ =	sdelay $0x3  }
0x95: {  	_ =	strace s4  }
0x96: {  	s4 =	sld [smem:$0x3FFD];
	_ =	sdelay $0x3  }
0x97: {  	_ =	strace s4  }
0x98: {  	_ =	strace $0x8FFFFFFF  }
0x99: {  	s19 =	sld [smem:$0x3FDB];
	_ =	sdelay $0x1  }
0x9a: {  	s5 =	simm.s32 $_scs_section_size  }
0x9b: {  	s6 =	simm.s32 $_size__tile_overlayer_lowered;
	s7 =	simm.s32 $_tile_overlayer_lowered  }
0x9c: {  	s22 =	simm.s32 $0x1BFF;
	s21 =	sshll.u32 s7, $0x1;
	s4 =	sadd.s32 s5, s19  }
0x9d: {  	s8 =	simm.s32 $0x0;
	s20 =	sshll.u32 s6, $0x1;
	s6 =	sadd.s32 s21, s4  }
0x9e: {  	[timem:s8], [sflag:s22] =	dma.local [hbm:s6], s20  }
0x9f: {  	_ =	swait.ge [sflag:s22], s20  }
0xa0: {  	s5 =	ssub.s32 $0x0, s20;
	[sflag:s22] =	ssyncset.done $0x0  }
0xa1: {  	[sflag:s22] =	ssyncadd.s32 s5;
	_ =	sdelay $0x1  }
0xa2: {  	s23 =	simm.s32 $0x1B8B  }
0xa3: {  	_ =	swait.ge [sflag:s23], $0x1  }
0xa4: {  	[sflag:s23] =	ssyncset.done $0x0  }
0xa5: {  	s25 =	simm.s32 $0x1B8E;
	s24 =	sld [smem:$0x3FFE];
	[sflag:s23] =	ssyncadd.s32 $0xFFFFFFFF  }
0xa6: {  	s26 =	simm.s32 $execute0_lowered;
	[smem:$0x3FD2] =	sst s25  }
0xa7: {  	s6 =	sshll.u32 s26, $0x1;
	_ =	strace $0x80000046;
	[dreg:$0x1] =	wrdreg $0xFFFFFFFF  }
0xa8: {  	s28 =	simm.s32 $_size_execute0_lowered;
	s4 =	sadd.s32 s4, s6;
	[dreg:$0x0] =	wrdreg $0x0  }
0xa9: {  	s6 =	sshll.u32 s28, $0x1;
	[dreg:$0x2] =	wrdreg s4  }
0xaa: {  	[dreg:$0x3] =	wrdreg s6  }
0xab: {  	[dreg:$0x4] =	wrdreg $0xC0  }
0xac: {  	_ =	task [dreg:s8], $0x5FFFF  }
0xad: {  	[dreg:$0x1] =	wrdreg $0xFFFFFFFF  }
0xae: {  	[dreg:$0x0] =	wrdreg $0x60  }
0xaf: {  	[dreg:$0x2] =	wrdreg s2  }
0xb0: {  	[dreg:$0x3] =	wrdreg s18  }
0xb1: {  	[dreg:$0x4] =	wrdreg s24  }
0xb2: {  	[dreg:$0x5] =	wrdreg $0x9  }
0xb3: {  	_ =	task.clear_ibuf [dreg:s8], $0x6FFFF;
	_ =	strace $0x90000046  }
0xb4: {  	s29 =	simm.s32 $0x9;
	_ =	strace $0x80000048  }
0xb5: {  	_ =	swait.ge [sflag:s29], $0x1  }
0xb6: {  	[sflag:s29] =	ssyncadd.s32 $0xFFFFFFFF  }
0xb7: {  	_ =	strace $0x90000048  }
0xb8: {  	_ =	sfence  }
0xb9: {  	s30 =	sld [smem:$0x0];
	_ =	sdelay $0x2  }
0xba: {  	s31 =	sshll.u32 s1, $0xD;
	s1 =	sshrl.u32 s1, $0x2  }
0xbb: {  	s3 =	sand.u32 $0x4000, s31;
	s1 =	sadd.s32 s1, s30  }
0xbc: {  	s0 =	sor.u32 s3, s0;
	s1 =	sshll.u32 s1, $0x11  }
0xbd: {  	s0 =	sor.u32 s1, s0  }
0xbe: {  	s0 =	sadd.s32 $0x8F2B, s0  }
0xbf: {  	[sflag:s0] =	ssyncadd.remote.s32 $0x1  }
0xc0: {  	_ =	sfence.sel $0xFFFF  }
0xc1: {  	[dreg:$0x0] =	wrdreg $0xFFFFFFFF;
	(pc) =	sbr.abs _section_cstart, $3  }
0xc2: {  	[dreg:$0x1] =	wrdreg $0xFFFFFFFF  }
0xc3: {  	_ =	task.clear_ibuf [dreg:s8], $0x2FFFF;
	_ =	strace $0x9FFFFFFF  }
0xc4: {  	(tm) =	ssettm $0x7FFFFFFF  }
0xc5: {  	_ =	shalt  }
tec
execute0_lowered:
.L_overlay_start_1:
0x0: {  	(tag) =	ssettag $0x1  }
0x1: {  	s4 =	rddreg [dreg:$0x0]  }
0x2: {  	s2 =	rddreg [dreg:$0x1]  }
0x3: {  	s5 =	rddreg [dreg:$0x2];
	s3 =	srdreg.scid  }
0x4: {  	s0 =	rddreg [dreg:$0x3];
	s1 =	stileid.u32;
	s10 =	simm.s32 $0x1080  }
0x5: {  	s11 =	simm.s32 $0x1880;
	s12 =	simm.s32 $0x2080;
	s13 =	simm.s32 $0x2880  }
0x6: {  	s14 =	simm.s32 $0x3080;
	s15 =	simm.s32 $0x3880;
	s16 =	simm.s32 $0x4080  }
0x7: {  	s17 =	simm.s32 $0x4880;
	s18 =	simm.s32 $0x5080;
	s19 =	simm.s32 $0x5880  }
0x8: {  	s20 =	simm.s32 $0x6080;
	s21 =	simm.s32 $0x6880;
	s22 =	simm.s32 $0x7080  }
0x9: {  	s23 =	simm.s32 $0x7880;
	s24 =	simm.s32 $0x1;
	s6 =	sand.u32 $0x1, s3  }
0xa: {  	s3 =	simm.s32 $0x0;
	s7 =	sshll.u32 s1, $0x8;
	s8 =	sshll.u32 s6, $0x7  }
0xb: {  	[smem:$0x7FF] =	sst s3;
	s6 =	ssub.s32 $0x2, s6;
	s7 =	sor.u32 s8, s7  }
0xc: {  	_ =	strace $0x80000047;
	s9 =	sshrl.u32 s6, $0x1;
	s8 =	sshll.u32 s7, $0x5  }
0xd: {  	v2 =	vlaneseq.u32;
	s6 =	ssub.s32 s6, s9;
	s7 =	sshrl.u32 s7, $0x3;
	s9 =	simm.s32 $0x880  }
0xe: {  	vm0 =	vmmov $0xffff;
	v1 =	vshrl.u32 v2, $0x3;
	s5 =	sadd.s32 s8, s5;
	s4 =	sadd.s32 s4, s7;
	s6 =	smax.u32 s6, $0x1  }
0xf: {  	v0 =	vand.u32 $0x7, v2;
	v2 =	vor.u32 $0x8, v2;
	v1 =	vmul.u32 $0x8, v1;
	s7 =	simm.s32 $0x2;
	s8 =	simm.s32 $0x80;
	s5 =	sadd.s32 $0x2800, s5  }
.LBB2_1:
0x10: {  	[tilespmem:s3], [sflag:$0x2] =	stream.linear.gather [hbm4b:s4+s3], $0x80, $0x38;
	[tilespmem:$0x8080] =	vst v63  }
0x11: {  	_ =	swait.ge [sflag:s7], $0x80  }
0x12: {  	[sflag:s7] =	ssyncset.done $0x0  }
0x13: {  	[sflag:s7] =	ssyncadd.s32 $0xFFFFFF80  }
0x14: {  	v3 =	vld [tilespmem:$0x0]  }
0x15: {  	v4 =	vld [tilespmem:$0x10];
	_ =	sdelay $0x1  }
0x16: {  	v5 =	vld [tilespmem:$0x20];
	_ =	sdelay $0x1  }
0x17: {  	v6 =	vld [tilespmem:$0x30];
	vm1 =	vgt.s32 v3, $0x0  }
0x18: {  	v7 =	vld [tilespmem:$0x40];
	v3 =	vnsel vm1, $0x0, v3;
	vm1 =	vgt.s32 v4, $0x0  }
0x19: {  	v8 =	vld [tilespmem:$0x50];
	v4 =	vnsel vm1, $0x0, v4  }
0x1a: {  	v3 =	vmin.u32 v3, $0xF42A3;
	vm1 =	vgt.s32 v5, $0x0;
	v4 =	vmin.u32 v4, $0xF42A3  }
0x1b: {  	v10 =	vld [tilespmem:$0x60];
	v9 =	vshll.u32 v3, $0x1;
	v11 =	vand.u32 $0x7, v3;
	v5 =	vnsel vm1, $0x0, v5  }
0x1c: {  	v50 =	vld [tilespmem:$0x70];
	vm1 =	vgt.s32 v6, $0x0;
	[tilespmem:$0x0] =	vst v3;
	v9 =	vand.u32 $0x1FFFF0, v9;
	v3 =	vmin.u32 v5, $0xF42A3  }
0x1d: {  	v51 =	vnsel vm1, $0x0, v6;
	vm1 =	vgt.s32 v7, $0x0;
	v9 =	vor.u32 v11, v9  }
0x1e: {  	[tilespmem:$0x10] =	vst v4;
	v52 =	vnsel vm1, $0x0, v7;
	vm1 =	vgt.s32 v8, $0x0;
	v53 =	vperm.xlane v9, v0  }
0x1f: {  	[tilespmem:$0x20] =	vst v3;
	v5 =	vmin.u32 v51, $0xF42A3;
	v3 =	vnsel vm1, $0x0, v8;
	v4 =	vmin.u32 v52, $0xF42A3  }
0x20: {  	[tilespmem:$0x30] =	vst v5;
	vm1 =	vgt.s32 v10, $0x0;
	v55 =	vperm.xlane v9, v2;
	v54 =	vadd.s32 v1, v53  }
0x21: {  	[tilespmem:$0x40] =	vst v4;
	v3 =	vmin.u32 v3, $0xF42A3;
	v56 =	vnsel vm1, $0x0, v10;
	vm1 =	vgt.s32 v50, $0x0  }
0x22: {  	[tilespmem:$0x50] =	vst v3;
	v3 =	vnsel vm1, $0x0, v50;
	v4 =	vmin.u32 v56, $0xF42A3;
	v6 =	vadd.s32 v1, v55  }
0x23: {  	[tilespmem:$0x60] =	vst v4;
	v3 =	vmin.u32 v3, $0xF42A3  }
0x24: {  	[tilespmem:$0x70] =	vst v3  }
0x25: {  	[tilespmem:s8], [sflag:$0x1] =	stream.indirect_vreg.gather [hbm4b:s2+s3], $0x80, v54, vm0, $0xb8;
	[tilespmem:$0x8080] =	vst v63  }
0x26: {  	_ = 	snop  }
0x27: {  	[tilespmem:s9], [sflag:$0x1] =	stream.indirect_vreg.gather [hbm4b:s2+s3], $0x80, v6, vm0, $0xb8;
	[tilespmem:$0x8080] =	vst v63  }
0x28: {  	v3 =	vld [tilespmem:$0x10];
	_ =	sdelay $0x4  }
0x29: {  	v57 =	vshll.u32 v3, $0x1  }
0x2a: {  	v3 =	vand.u32 $0x7, v3;
	v4 =	vand.u32 $0xFFFFFFF0, v57  }
0x2b: {  	v3 =	vor.u32 v3, v4  }
0x2c: {  	v4 =	vperm.xlane v3, v0;
	_ =	sdelay $0x1  }
0x2d: {  	v3 =	vperm.xlane v3, v2;
	v4 =	vadd.s32 v1, v4;
	_ =	sdelay $0x1  }
0x2e: {  	v3 =	vadd.s32 v1, v3;
	_ =	sdelay $0x2  }
0x2f: {  	[tilespmem:s10], [sflag:$0x1] =	stream.indirect_vreg.gather [hbm4b:s2+s3], $0x80, v4, vm0, $0xb8;
	[tilespmem:$0x8080] =	vst v63  }
0x30: {  	_ = 	snop  }
0x31: {  	[tilespmem:s11], [sflag:$0x1] =	stream.indirect_vreg.gather [hbm4b:s2+s3], $0x80, v3, vm0, $0xb8;
	[tilespmem:$0x8080] =	vst v63  }
0x32: {  	v3 =	vld [tilespmem:$0x20];
	_ =	sdelay $0x4  }
0x33: {  	v58 =	vshll.u32 v3, $0x1  }
0x34: {  	v3 =	vand.u32 $0x7, v3;
	v4 =	vand.u32 $0xFFFFFFF0, v58  }
0x35: {  	v3 =	vor.u32 v3, v4  }
0x36: {  	v4 =	vperm.xlane v3, v0;
	_ =	sdelay $0x1  }
0x37: {  	v3 =	vperm.xlane v3, v2;
	v4 =	vadd.s32 v1, v4;
	_ =	sdelay $0x1  }
0x38: {  	v3 =	vadd.s32 v1, v3;
	_ =	sdelay $0x2  }
0x39: {  	[tilespmem:s12], [sflag:$0x1] =	stream.indirect_vreg.gather [hbm4b:s2+s3], $0x80, v4, vm0, $0xb8;
	[tilespmem:$0x8080] =	vst v63  }
0x3a: {  	_ = 	snop  }
0x3b: {  	[tilespmem:s13], [sflag:$0x1] =	stream.indirect_vreg.gather [hbm4b:s2+s3], $0x80, v3, vm0, $0xb8;
	[tilespmem:$0x8080] =	vst v63  }
0x3c: {  	v3 =	vld [tilespmem:$0x30];
	_ =	sdelay $0x4  }
0x3d: {  	v59 =	vshll.u32 v3, $0x1  }
0x3e: {  	v3 =	vand.u32 $0x7, v3;
	v4 =	vand.u32 $0xFFFFFFF0, v59  }
0x3f: {  	v3 =	vor.u32 v3, v4  }
0x40: {  	v4 =	vperm.xlane v3, v0;
	_ =	sdelay $0x1  }
0x41: {  	v3 =	vperm.xlane v3, v2;
	v4 =	vadd.s32 v1, v4;
	_ =	sdelay $0x1  }
0x42: {  	v3 =	vadd.s32 v1, v3;
	_ =	sdelay $0x2  }
0x43: {  	[tilespmem:s14], [sflag:$0x1] =	stream.indirect_vreg.gather [hbm4b:s2+s3], $0x80, v4, vm0, $0xb8;
	[tilespmem:$0x8080] =	vst v63  }
0x44: {  	_ = 	snop  }
0x45: {  	[tilespmem:s15], [sflag:$0x1] =	stream.indirect_vreg.gather [hbm4b:s2+s3], $0x80, v3, vm0, $0xb8;
	[tilespmem:$0x8080] =	vst v63  }
0x46: {  	v3 =	vld [tilespmem:$0x40];
	_ =	sdelay $0x4  }
0x47: {  	v60 =	vshll.u32 v3, $0x1  }
0x48: {  	v3 =	vand.u32 $0x7, v3;
	v4 =	vand.u32 $0xFFFFFFF0, v60  }
0x49: {  	v3 =	vor.u32 v3, v4  }
0x4a: {  	v4 =	vperm.xlane v3, v0;
	_ =	sdelay $0x1  }
0x4b: {  	v3 =	vperm.xlane v3, v2;
	v4 =	vadd.s32 v1, v4;
	_ =	sdelay $0x1  }
0x4c: {  	v3 =	vadd.s32 v1, v3;
	_ =	sdelay $0x2  }
0x4d: {  	[tilespmem:s16], [sflag:$0x1] =	stream.indirect_vreg.gather [hbm4b:s2+s3], $0x80, v4, vm0, $0xb8;
	[tilespmem:$0x8080] =	vst v63  }
0x4e: {  	_ = 	snop  }
0x4f: {  	[tilespmem:s17], [sflag:$0x1] =	stream.indirect_vreg.gather [hbm4b:s2+s3], $0x80, v3, vm0, $0xb8;
	[tilespmem:$0x8080] =	vst v63  }
0x50: {  	v3 =	vld [tilespmem:$0x50];
	_ =	sdelay $0x4  }
0x51: {  	v61 =	vshll.u32 v3, $0x1  }
0x52: {  	v3 =	vand.u32 $0x7, v3;
	v4 =	vand.u32 $0xFFFFFFF0, v61  }
0x53: {  	v3 =	vor.u32 v3, v4  }
0x54: {  	v4 =	vperm.xlane v3, v0;
	_ =	sdelay $0x1  }
0x55: {  	v3 =	vperm.xlane v3, v2;
	v4 =	vadd.s32 v1, v4;
	_ =	sdelay $0x1  }
0x56: {  	v3 =	vadd.s32 v1, v3;
	_ =	sdelay $0x2  }
0x57: {  	[tilespmem:s18], [sflag:$0x1] =	stream.indirect_vreg.gather [hbm4b:s2+s3], $0x80, v4, vm0, $0xb8;
	[tilespmem:$0x8080] =	vst v63  }
0x58: {  	_ = 	snop  }
0x59: {  	[tilespmem:s19], [sflag:$0x1] =	stream.indirect_vreg.gather [hbm4b:s2+s3], $0x80, v3, vm0, $0xb8;
	[tilespmem:$0x8080] =	vst v63  }
0x5a: {  	v3 =	vld [tilespmem:$0x60];
	_ =	sdelay $0x4  }
0x5b: {  	v62 =	vshll.u32 v3, $0x1  }
0x5c: {  	v3 =	vand.u32 $0x7, v3;
	v4 =	vand.u32 $0xFFFFFFF0, v62  }
0x5d: {  	v3 =	vor.u32 v3, v4  }
0x5e: {  	v4 =	vperm.xlane v3, v0;
	_ =	sdelay $0x1  }
0x5f: {  	v3 =	vperm.xlane v3, v2;
	v4 =	vadd.s32 v1, v4;
	_ =	sdelay $0x1  }
0x60: {  	v3 =	vadd.s32 v1, v3;
	_ =	sdelay $0x2  }
0x61: {  	[tilespmem:s20], [sflag:$0x1] =	stream.indirect_vreg.gather [hbm4b:s2+s3], $0x80, v4, vm0, $0xb8;
	[tilespmem:$0x8080] =	vst v63  }
0x62: {  	_ = 	snop  }
0x63: {  	[tilespmem:s21], [sflag:$0x1] =	stream.indirect_vreg.gather [hbm4b:s2+s3], $0x80, v3, vm0, $0xb8;
	[tilespmem:$0x8080] =	vst v63  }
0x64: {  	v3 =	vld [tilespmem:$0x70];
	_ =	sdelay $0x4  }
0x65: {  	v63 =	vshll.u32 v3, $0x1  }
0x66: {  	v3 =	vand.u32 $0x7, v3;
	v4 =	vand.u32 $0xFFFFFFF0, v63  }
0x67: {  	v3 =	vor.u32 v3, v4  }
0x68: {  	v4 =	vperm.xlane v3, v0;
	_ =	sdelay $0x1  }
0x69: {  	v3 =	vperm.xlane v3, v2;
	v4 =	vadd.s32 v1, v4;
	_ =	sdelay $0x1  }
0x6a: {  	v3 =	vadd.s32 v1, v3;
	_ =	sdelay $0x2  }
0x6b: {  	[tilespmem:s22], [sflag:$0x1] =	stream.indirect_vreg.gather [hbm4b:s2+s3], $0x80, v4, vm0, $0xb8;
	[tilespmem:$0x8080] =	vst v63  }
0x6c: {  	_ = 	snop  }
0x6d: {  	[tilespmem:s23], [sflag:$0x1] =	stream.indirect_vreg.gather [hbm4b:s2+s3], $0x80, v3, vm0, $0xb8;
	[tilespmem:$0x8080] =	vst v63  }
0x6e: {  	_ =	swait.ge [sflag:s24], $0x8000  }
0x6f: {  	p0 =	sne.s32 s6, $0x1;
	[sflag:s24] =	ssyncset.done $0x0  }
.Ltmp0:
0x70: {  	[sflag:s24] =	ssyncadd.s32 $0xFFFF8000;
	(pc) =	sbr.rel @p0 .LBB2_1-.Ltmp0, $4  }
0x71: {  	[hbm4b:s5+s3] =	stream.linear.scatter [tilespmem:s8], [sflag:$0x2], $0x8000, $0x38;
	[tilespmem:$0x8080] =	vst v63  }
0x72: {  	_ =	swait.ge [sflag:s7], $0x8000  }
0x73: {  	[sflag:s7] =	ssyncset.done $0x0  }
0x74: {  	s6 =	sadd.s32 $0xFFFFFFFF, s6;
	[sflag:s7] =	ssyncadd.s32 $0xFFFF8000  }
0x75: {  	_ =	sfence.sel $0x180000  }
0x76: {  	[bflag:$0x0] =	sbarrier.arrive $0xFFFF  }
0x77: {  	p0 =	sne.s32 s1, $0x0;
	_ =	strace $0x90000047  }
0x78: {  	s0 =	sadd.s32 @!p0 $0x100000, s0;
	[bflag:$0x2] =	sbarrier.arrive $0xFFFF  }
0x79: {  	[sflag:s0] =	ssyncadd.tile.s32 @!p0 $0x1;
	_ =	shalt  }
.Lfunc_end2:
_tile_overlayer_lowered:
.L_overlay_start_2:
0x7a: {  	(tag) =	ssettag $0x2  }
0x7b: {  	s0 =	rddreg [dreg:$0x0];
	s2 =	stileid.u32  }
0x7c: {  	s1 =	rddreg [dreg:$0x1];
	p0 =	sne.s32 s2, $0x0  }
0x7d: {  	s3 =	rddreg [dreg:$0x2];
	[bflag:$0x3] =	sbarrier.arrive $0xFFFF;
	s2 =	simm.s32 @!p0 $0x1C02  }
0x7e: {  	[timem:s3], [sflag:s2] =	dma.local @!p0 [hbm:s0], s1  }
0x7f: {  	s0 =	simm.s32 @!p0 $0x2  }
0x80: {  	_ =	swait.ge @!p0 [sflag:s0], s1  }
0x81: {  	s1 =	ssub.s32 @!p0 $0x0, s1;
	[sflag:s0] =	ssyncset.done @!p0 $0x0  }
0x82: {  	[sflag:s0] =	ssyncadd.s32 @!p0 s1  }
0x83: {  	[bflag:$0x3] =	sbarrier.arrive $0xFFFF  }
0x84: {  	_ =	shalt  }

</sc_bundles>
